<compile_context>
chip_gen: v7x
topology: tpu7x:2x2x1
jax: 0.10.2.dev20260603
libtpu: 0.0.44.dev20260713+nightly
codegen_flags: <defaults>
</compile_context>

<pallas_src>
import functools

import jax
import jax.numpy as jnp
from jax import lax
from jax.experimental import pallas as pl
from jax.experimental.pallas import tpu as pltpu
from jax.experimental.pallas import tpu_sc as plsc

NUM_EMB = 1000000
DIM = 32
BATCH = 16384
HIST = 50

NC = 2
NS = 16
NW = NC * NS

NBLK = BATCH // 128
U_PER_W = NBLK // NW
NPAIR = HIST // 2

_mesh = plsc.VectorSubcoreMesh(core_axis_name="c", subcore_axis_name="s")


@functools.partial(
    pl.kernel,
    mesh=_mesh,
    compiler_params=pltpu.CompilerParams(use_tc_tiling_on_sc=False,
                                         needs_layout_passes=False),
    out_type=jax.ShapeDtypeStruct((HIST, BATCH, DIM), jnp.float32),
    scratch_types=[
        pltpu.VMEM((HIST, 128), jnp.int32),
        pltpu.VMEM((128,), jnp.int32),
        pltpu.VMEM((128,), jnp.int32),
        pltpu.VMEM((128, DIM), jnp.float32),
        pltpu.VMEM((128, DIM), jnp.float32),
        pltpu.SemaphoreType.DMA((2,)),
        pltpu.SemaphoreType.DMA((2,)),
    ],
)
def _gather_kernel(idx_hbm, table_hbm, out_hbm, ibuf, jb0, jb1, r0, r1,
                   g_sem, s_sem):
    wid = lax.axis_index("s") * NC + lax.axis_index("c")
    iota16 = lax.iota(jnp.int32, 16)
    jb = (jb0, jb1)
    rows = (r0, r1)

    def gather_fire(hp, par, cnt):
        @pl.when(cnt > 1)
        def _():
            pltpu.make_async_copy(rows[par], out_hbm.at[0, pl.ds(0, 128), :],
                                  s_sem.at[par]).wait()
        for k in range(8):
            iv = plsc.load_gather(ibuf, [jnp.full((16,), hp, jnp.int32),
                                         k * 16 + iota16])
            jb[par][pl.ds(16 * k, 16)] = iv
        pltpu.make_async_copy(table_hbm.at[jb[par]], rows[par],
                              g_sem.at[par]).start()

    def store_fire(hp, c0, par):
        pltpu.make_async_copy(table_hbm.at[jb[par]], rows[par],
                              g_sem.at[par]).wait()
        pltpu.make_async_copy(rows[par], out_hbm.at[hp, pl.ds(c0, 128), :],
                              s_sem.at[par]).start()

    def unit_body(n, cnt):
        c0 = (wid * U_PER_W + n) * 128
        pltpu.sync_copy(idx_hbm.at[:, pl.ds(c0, 128)], ibuf)

        def pair_body(i, cnt):
            h0 = 2 * i
            gather_fire(h0, 0, cnt)
            gather_fire(h0 + 1, 1, cnt + 1)
            store_fire(h0, c0, 0)
            store_fire(h0 + 1, c0, 1)
            return cnt + 2

        return lax.fori_loop(0, NPAIR, pair_body, cnt)

    lax.fori_loop(0, U_PER_W, unit_body, 0)

    for par in range(2):
        pltpu.make_async_copy(rows[par], out_hbm.at[0, pl.ds(0, 128), :],
                              s_sem.at[par]).wait()


def kernel(inputs, table):
    idx_t = inputs.T.astype(jnp.int32)
    out_t = _gather_kernel(idx_t, table)
    return jnp.transpose(out_t, (1, 0, 2))

# --- scband reference (transcript-rebuilt; emitter-appended) ---
"""Pipeline reference for scband-embedder-44375602103126 (READ-ONLY COPY).

The authoritative reference and input builder live on the scoring server;
editing this copy changes nothing except your own understanding.
"""

import jax, jax.numpy as jnp
import numpy as np

NUM_EMBEDDINGS = 1000000
EMBEDDING_DIM = 32
BATCH = 16384
HIST = 50

def setup_inputs(seed: int = 0) -> dict:
    key = jax.random.key(seed)
    k_idx, k_tab = jax.random.split(key)
    inputs = jax.random.randint(k_idx, (BATCH, HIST), 0, NUM_EMBEDDINGS, dtype=jnp.int64 if jax.config.read('jax_enable_x64') else jnp.int32)
    table = jax.random.normal(k_tab, (NUM_EMBEDDINGS, EMBEDDING_DIM), dtype=jnp.float32)
    return {"inputs": inputs, "table": table}

def reference(inputs, table):
    # Embedder.forward with normalize == 'none': plain embedding lookup
    embeds = jnp.take(table, inputs, axis=0)
    return embeds

if __name__ == "__main__":
    import jax
    _d = setup_inputs()
    print(jax.jit(kernel)(*tuple(_d.values())))

</pallas_src>

<mosaic_0001>
#map = affine_map<(d0, d1) -> (0, 0)>
#map1 = affine_map<(d0, d1) -> (0, 0, 0)>
module attributes {stable_mosaic.version = 14 : i64} {
  func.func @_gather_kernel(%arg0: i32, %arg1: i32, %arg2: memref<50x16384xi32, #tpu.memory_space<hbm>>, %arg3: memref<1000000x32xf32, #tpu.memory_space<hbm>>, %arg4: memref<50x16384x32xf32, #tpu.memory_space<hbm>>, %arg5: memref<50x128xi32, #tpu.memory_space<vmem>>, %arg6: memref<128xi32, #tpu.memory_space<vmem>>, %arg7: memref<128xi32, #tpu.memory_space<vmem>>, %arg8: memref<128x32xf32, #tpu.memory_space<vmem>>, %arg9: memref<128x32xf32, #tpu.memory_space<vmem>>, %arg10: memref<2x!tpu.dma_semaphore, #tpu.memory_space<semaphore_mem>>, %arg11: memref<2x!tpu.dma_semaphore, #tpu.memory_space<semaphore_mem>>) attributes {dimension_semantics = [#tpu.dimension_semantics<core_parallel>, #tpu.dimension_semantics<subcore_parallel>], iteration_bounds = array<i64: 2, 16>, scalar_prefetch = 0 : i64, scratch_operands = 7 : i64, tpu.core_type = #tpu.core_type<sc_vector_subcore>, window_params = [{transform_indices = #map}, {transform_indices = #map}, {transform_indices = #map1}]} {
    %mul3A = arith.constant 2 : i32
    %mul3A_0 = arith.muli %arg1, %mul3A : i32
    %add3A = arith.addi %mul3A_0, %arg0 : i32
    %iota3A = tpu.iota {dimensions = array<i32: 0>} : vector<16xi32>
    %scan3A = arith.constant 0 : i32
    %scan3A_1 = arith.constant 0 : i32
    %scan3A_2 = arith.constant 4 : i32
    %scan3A_3 = arith.addi %scan3A_1, %scan3A_2 : i32
    %scan3A_4 = arith.constant 1 : i32
    %scan3A_5 = scf.for %scan3A_30 = %scan3A_1 to %scan3A_3 step %scan3A_4 iter_args(%scan3A_31 = %scan3A) -> (i32)  : i32 {
      %mul3A_32 = arith.constant 4 : i32
      %mul3A_33 = arith.muli %add3A, %mul3A_32 : i32
      %add3A_34 = arith.addi %mul3A_33, %scan3A_30 : i32
      %mul3A_35 = arith.constant 128 : i32
      %mul3A_36 = arith.muli %add3A_34, %mul3A_35 : i32
      "tpu.region"() ({
        %run_scoped3A = tpu.sem_alloc : memref<!tpu.dma_semaphore, #tpu.memory_space<semaphore_mem>>
        %dma_start3A = arith.constant 0 : i32
        %dma_start3A_43 = tpu.memref_slice %arg2[%dma_start3A, %mul3A_36] : memref<50x16384xi32, #tpu.memory_space<hbm>> -> memref<50x128xi32, #tpu.memory_space<hbm>>
        %dma_start3A_44 = arith.constant 0 : i32
        %dma_start3A_45 = tpu.memref_slice %arg2[%dma_start3A_44, %mul3A_36] : memref<50x16384xi32, #tpu.memory_space<hbm>> -> memref<50x128xi32, #tpu.memory_space<hbm>>
        tpu.enqueue_dma source(%dma_start3A_45 : memref<50x128xi32, #tpu.memory_space<hbm>>) target(%arg5 : memref<50x128xi32, #tpu.memory_space<vmem>>) target_semaphore(%run_scoped3A : memref<!tpu.dma_semaphore, #tpu.memory_space<semaphore_mem>>)
        %dma_wait3A_46 = arith.constant 0 : i32
        %dma_wait3A_47 = tpu.memref_slice %arg2[%dma_wait3A_46, %mul3A_36] : memref<50x16384xi32, #tpu.memory_space<hbm>> -> memref<50x128xi32, #tpu.memory_space<hbm>>
        %dma_wait3A_48 = arith.constant 0 : i32
        %dma_wait3A_49 = tpu.memref_slice %arg2[%dma_wait3A_48, %mul3A_36] : memref<50x16384xi32, #tpu.memory_space<hbm>> -> memref<50x128xi32, #tpu.memory_space<hbm>>
        tpu.wait_dma2 semaphore(%run_scoped3A : memref<!tpu.dma_semaphore, #tpu.memory_space<semaphore_mem>>) src(%dma_wait3A_49 : memref<50x128xi32, #tpu.memory_space<hbm>>) dst(%arg5 : memref<50x128xi32, #tpu.memory_space<vmem>>)
        tpu.yield
      }) : () -> ()
      %scan3A_37 = arith.constant 0 : i32
      %scan3A_38 = arith.constant 25 : i32
      %scan3A_39 = arith.addi %scan3A_37, %scan3A_38 : i32
      %scan3A_40 = arith.constant 1 : i32
      %scan3A_41 = scf.for %scan3A_43 = %scan3A_37 to %scan3A_39 step %scan3A_40 iter_args(%scan3A_44 = %scan3A_31) -> (i32)  : i32 {
        %mul3A_45 = arith.constant 2 : i32
        %mul3A_46 = arith.muli %mul3A_45, %scan3A_43 : i32
        %gt3A = arith.constant 1 : i32
        %gt3A_47 = arith.cmpi sgt, %scan3A_44, %gt3A : i32
        %convert_element_type3A = arith.extui %gt3A_47 : i1 to i32
        %cond3A = arith.constant 0 : i32
        %cond3A_48 = arith.cmpi ne, %convert_element_type3A, %cond3A : i32
        scf.if %cond3A_48 {
          %dma_wait3A_212 = arith.constant 0 : i32
          %dma_wait3A_213 = arith.constant 0 : i32
          %dma_wait3A_214 = arith.constant 0 : i32
          %dma_wait3A_215 = arith.constant 0 : i32
          %dma_wait3A_216 = tpu.memref_slice %arg4[%dma_wait3A_212, %dma_wait3A_214, %dma_wait3A_215] : memref<50x16384x32xf32, #tpu.memory_space<hbm>> -> memref<1x128x32xf32, #tpu.memory_space<hbm>>
          %dma_wait3A_217 = tpu.memref_squeeze %dma_wait3A_216 : memref<1x128x32xf32, #tpu.memory_space<hbm>> -> memref<128x32xf32, #tpu.memory_space<hbm>>
          %dma_wait3A_218 = tpu.memref_slice %arg11[%dma_wait3A_213] : memref<2x!tpu.dma_semaphore, #tpu.memory_space<semaphore_mem>> -> memref<1x!tpu.dma_semaphore, #tpu.memory_space<semaphore_mem>>
          %dma_wait3A_219 = tpu.memref_squeeze %dma_wait3A_218 : memref<1x!tpu.dma_semaphore, #tpu.memory_space<semaphore_mem>> -> memref<!tpu.dma_semaphore, #tpu.memory_space<semaphore_mem>>
          %dma_wait3A_220 = arith.constant 0 : i32
          %dma_wait3A_221 = arith.constant 0 : i32
          %dma_wait3A_222 = tpu.memref_slice %arg4[%dma_wait3A_212, %dma_wait3A_220, %dma_wait3A_221] : memref<50x16384x32xf32, #tpu.memory_space<hbm>> -> memref<1x128x32xf32, #tpu.memory_space<hbm>>
          %dma_wait3A_223 = tpu.memref_squeeze %dma_wait3A_222 : memref<1x128x32xf32, #tpu.memory_space<hbm>> -> memref<128x32xf32, #tpu.memory_space<hbm>>
          tpu.wait_dma2 semaphore(%dma_wait3A_219 : memref<!tpu.dma_semaphore, #tpu.memory_space<semaphore_mem>>) src(%arg8 : memref<128x32xf32, #tpu.memory_space<vmem>>) dst(%dma_wait3A_223 : memref<128x32xf32, #tpu.memory_space<hbm>>)
        } else {
        }
        %broadcast_in_dim3A = vector.broadcast %mul3A_46 : i32 to vector<16xi32>
        %add3A_49 = arith.constant 0 : i32
        %add3A_50 = vector.broadcast %add3A_49 : i32 to vector<16xi32>
        %add3A_51 = arith.addi %add3A_50, %iota3A : vector<16xi32>
        %gather3A = tpu.vector_load_idx %arg5[%broadcast_in_dim3A, %add3A_51] : memref<50x128xi32, #tpu.memory_space<vmem>>[vector<16xi32>, vector<16xi32>], vector<16xi32>,
        %swap3A = arith.constant 0 : index
        %swap3A_52 = tpu.vector_load %arg6[%swap3A] {strides = array<i32>} : memref<128xi32, #tpu.memory_space<vmem>>, vector<16xi32>,
        tpu.vector_store %arg6[%swap3A], %gather3A {strides = array<i32>} : memref<128xi32, #tpu.memory_space<vmem>>, vector<16xi32>,
        %broadcast_in_dim3A_53 = vector.broadcast %mul3A_46 : i32 to vector<16xi32>
        %add3A_54 = arith.constant 16 : i32
        %add3A_55 = vector.broadcast %add3A_54 : i32 to vector<16xi32>
        %add3A_56 = arith.addi %add3A_55, %iota3A : vector<16xi32>
        %gather3A_57 = tpu.vector_load_idx %arg5[%broadcast_in_dim3A_53, %add3A_56] : memref<50x128xi32, #tpu.memory_space<vmem>>[vector<16xi32>, vector<16xi32>], vector<16xi32>,
        %swap3A_58 = arith.constant 16 : index
        %swap3A_59 = tpu.vector_load %arg6[%swap3A_58] {strides = array<i32>} : memref<128xi32, #tpu.memory_space<vmem>>, vector<16xi32>,
        tpu.vector_store %arg6[%swap3A_58], %gather3A_57 {strides = array<i32>} : memref<128xi32, #tpu.memory_space<vmem>>, vector<16xi32>,
        %broadcast_in_dim3A_60 = vector.broadcast %mul3A_46 : i32 to vector<16xi32>
        %add3A_61 = arith.constant 32 : i32
        %add3A_62 = vector.broadcast %add3A_61 : i32 to vector<16xi32>
        %add3A_63 = arith.addi %add3A_62, %iota3A : vector<16xi32>
        %gather3A_64 = tpu.vector_load_idx %arg5[%broadcast_in_dim3A_60, %add3A_63] : memref<50x128xi32, #tpu.memory_space<vmem>>[vector<16xi32>, vector<16xi32>], vector<16xi32>,
        %swap3A_65 = arith.constant 32 : index
        %swap3A_66 = tpu.vector_load %arg6[%swap3A_65] {strides = array<i32>} : memref<128xi32, #tpu.memory_space<vmem>>, vector<16xi32>,
        tpu.vector_store %arg6[%swap3A_65], %gather3A_64 {strides = array<i32>} : memref<128xi32, #tpu.memory_space<vmem>>, vector<16xi32>,
        %broadcast_in_dim3A_67 = vector.broadcast %mul3A_46 : i32 to vector<16xi32>
        %add3A_68 = arith.constant 48 : i32
        %add3A_69 = vector.broadcast %add3A_68 : i32 to vector<16xi32>
        %add3A_70 = arith.addi %add3A_69, %iota3A : vector<16xi32>
        %gather3A_71 = tpu.vector_load_idx %arg5[%broadcast_in_dim3A_67, %add3A_70] : memref<50x128xi32, #tpu.memory_space<vmem>>[vector<16xi32>, vector<16xi32>], vector<16xi32>,
        %swap3A_72 = arith.constant 48 : index
        %swap3A_73 = tpu.vector_load %arg6[%swap3A_72] {strides = array<i32>} : memref<128xi32, #tpu.memory_space<vmem>>, vector<16xi32>,
        tpu.vector_store %arg6[%swap3A_72], %gather3A_71 {strides = array<i32>} : memref<128xi32, #tpu.memory_space<vmem>>, vector<16xi32>,
        %broadcast_in_dim3A_74 = vector.broadcast %mul3A_46 : i32 to vector<16xi32>
        %add3A_75 = arith.constant 64 : i32
        %add3A_76 = vector.broadcast %add3A_75 : i32 to vector<16xi32>
        %add3A_77 = arith.addi %add3A_76, %iota3A : vector<16xi32>
        %gather3A_78 = tpu.vector_load_idx %arg5[%broadcast_in_dim3A_74, %add3A_77] : memref<50x128xi32, #tpu.memory_space<vmem>>[vector<16xi32>, vector<16xi32>], vector<16xi32>,
        %swap3A_79 = arith.constant 64 : index
        %swap3A_80 = tpu.vector_load %arg6[%swap3A_79] {strides = array<i32>} : memref<128xi32, #tpu.memory_space<vmem>>, vector<16xi32>,
        tpu.vector_store %arg6[%swap3A_79], %gather3A_78 {strides = array<i32>} : memref<128xi32, #tpu.memory_space<vmem>>, vector<16xi32>,
        %broadcast_in_dim3A_81 = vector.broadcast %mul3A_46 : i32 to vector<16xi32>
        %add3A_82 = arith.constant 80 : i32
        %add3A_83 = vector.broadcast %add3A_82 : i32 to vector<16xi32>
        %add3A_84 = arith.addi %add3A_83, %iota3A : vector<16xi32>
        %gather3A_85 = tpu.vector_load_idx %arg5[%broadcast_in_dim3A_81, %add3A_84] : memref<50x128xi32, #tpu.memory_space<vmem>>[vector<16xi32>, vector<16xi32>], vector<16xi32>,
        %swap3A_86 = arith.constant 80 : index
        %swap3A_87 = tpu.vector_load %arg6[%swap3A_86] {strides = array<i32>} : memref<128xi32, #tpu.memory_space<vmem>>, vector<16xi32>,
        tpu.vector_store %arg6[%swap3A_86], %gather3A_85 {strides = array<i32>} : memref<128xi32, #tpu.memory_space<vmem>>, vector<16xi32>,
        %broadcast_in_dim3A_88 = vector.broadcast %mul3A_46 : i32 to vector<16xi32>
        %add3A_89 = arith.constant 96 : i32
        %add3A_90 = vector.broadcast %add3A_89 : i32 to vector<16xi32>
        %add3A_91 = arith.addi %add3A_90, %iota3A : vector<16xi32>
        %gather3A_92 = tpu.vector_load_idx %arg5[%broadcast_in_dim3A_88, %add3A_91] : memref<50x128xi32, #tpu.memory_space<vmem>>[vector<16xi32>, vector<16xi32>], vector<16xi32>,
        %swap3A_93 = arith.constant 96 : index
        %swap3A_94 = tpu.vector_load %arg6[%swap3A_93] {strides = array<i32>} : memref<128xi32, #tpu.memory_space<vmem>>, vector<16xi32>,
        tpu.vector_store %arg6[%swap3A_93], %gather3A_92 {strides = array<i32>} : memref<128xi32, #tpu.memory_space<vmem>>, vector<16xi32>,
        %broadcast_in_dim3A_95 = vector.broadcast %mul3A_46 : i32 to vector<16xi32>
        %add3A_96 = arith.constant 112 : i32
        %add3A_97 = vector.broadcast %add3A_96 : i32 to vector<16xi32>
        %add3A_98 = arith.addi %add3A_97, %iota3A : vector<16xi32>
        %gather3A_99 = tpu.vector_load_idx %arg5[%broadcast_in_dim3A_95, %add3A_98] : memref<50x128xi32, #tpu.memory_space<vmem>>[vector<16xi32>, vector<16xi32>], vector<16xi32>,
        %swap3A_100 = arith.constant 112 : index
        %swap3A_101 = tpu.vector_load %arg6[%swap3A_100] {strides = array<i32>} : memref<128xi32, #tpu.memory_space<vmem>>, vector<16xi32>,
        tpu.vector_store %arg6[%swap3A_100], %gather3A_99 {strides = array<i32>} : memref<128xi32, #tpu.memory_space<vmem>>, vector<16xi32>,
        %dma_start3A = arith.constant 0 : i32
        %dma_start3A_102 = arith.constant 0 : i32
        %dma_start3A_103 = arith.constant 0 : i32
        %dma_start3A_104 = tpu.memref_slice %arg3[%dma_start3A_102, %dma_start3A_103] : memref<1000000x32xf32, #tpu.memory_space<hbm>> -> memref<1000000x32xf32, #tpu.memory_space<hbm>>
        %dma_start3A_105 = tpu.memref_slice %arg10[%dma_start3A] : memref<2x!tpu.dma_semaphore, #tpu.memory_space<semaphore_mem>> -> memref<1x!tpu.dma_semaphore, #tpu.memory_space<semaphore_mem>>
        %dma_start3A_106 = tpu.memref_squeeze %dma_start3A_105 : memref<1x!tpu.dma_semaphore, #tpu.memory_space<semaphore_mem>> -> memref<!tpu.dma_semaphore, #tpu.memory_space<semaphore_mem>>
        tpu.enqueue_indirect_dma source(%dma_start3A_104 : memref<1000000x32xf32, #tpu.memory_space<hbm>>) target(%arg8 : memref<128x32xf32, #tpu.memory_space<vmem>>) offsets(%arg6 : memref<128xi32, #tpu.memory_space<vmem>>) semaphore(%dma_start3A_106 : memref<!tpu.dma_semaphore, #tpu.memory_space<semaphore_mem>>)
        %add3A_107 = arith.constant 1 : i32
        %add3A_108 = arith.addi %mul3A_46, %add3A_107 : i32
        %add3A_109 = arith.constant 1 : i32
        %add3A_110 = arith.addi %scan3A_44, %add3A_109 : i32
        %gt3A_111 = arith.constant 1 : i32
        %gt3A_112 = arith.cmpi sgt, %add3A_110, %gt3A_111 : i32
        %convert_element_type3A_113 = arith.extui %gt3A_112 : i1 to i32
        %cond3A_114 = arith.constant 0 : i32
        %cond3A_115 = arith.cmpi ne, %convert_element_type3A_113, %cond3A_114 : i32
        scf.if %cond3A_115 {
          %dma_wait3A_212 = arith.constant 0 : i32
          %dma_wait3A_213 = arith.constant 1 : i32
          %dma_wait3A_214 = arith.constant 0 : i32
          %dma_wait3A_215 = arith.constant 0 : i32
          %dma_wait3A_216 = tpu.memref_slice %arg4[%dma_wait3A_212, %dma_wait3A_214, %dma_wait3A_215] : memref<50x16384x32xf32, #tpu.memory_space<hbm>> -> memref<1x128x32xf32, #tpu.memory_space<hbm>>
          %dma_wait3A_217 = tpu.memref_squeeze %dma_wait3A_216 : memref<1x128x32xf32, #tpu.memory_space<hbm>> -> memref<128x32xf32, #tpu.memory_space<hbm>>
          %dma_wait3A_218 = tpu.memref_slice %arg11[%dma_wait3A_213] : memref<2x!tpu.dma_semaphore, #tpu.memory_space<semaphore_mem>> -> memref<1x!tpu.dma_semaphore, #tpu.memory_space<semaphore_mem>>
          %dma_wait3A_219 = tpu.memref_squeeze %dma_wait3A_218 : memref<1x!tpu.dma_semaphore, #tpu.memory_space<semaphore_mem>> -> memref<!tpu.dma_semaphore, #tpu.memory_space<semaphore_mem>>
          %dma_wait3A_220 = arith.constant 0 : i32
          %dma_wait3A_221 = arith.constant 0 : i32
          %dma_wait3A_222 = tpu.memref_slice %arg4[%dma_wait3A_212, %dma_wait3A_220, %dma_wait3A_221] : memref<50x16384x32xf32, #tpu.memory_space<hbm>> -> memref<1x128x32xf32, #tpu.memory_space<hbm>>
          %dma_wait3A_223 = tpu.memref_squeeze %dma_wait3A_222 : memref<1x128x32xf32, #tpu.memory_space<hbm>> -> memref<128x32xf32, #tpu.memory_space<hbm>>
          tpu.wait_dma2 semaphore(%dma_wait3A_219 : memref<!tpu.dma_semaphore, #tpu.memory_space<semaphore_mem>>) src(%arg9 : memref<128x32xf32, #tpu.memory_space<vmem>>) dst(%dma_wait3A_223 : memref<128x32xf32, #tpu.memory_space<hbm>>)
        } else {
        }
        %broadcast_in_dim3A_116 = vector.broadcast %add3A_108 : i32 to vector<16xi32>
        %add3A_117 = arith.constant 0 : i32
        %add3A_118 = vector.broadcast %add3A_117 : i32 to vector<16xi32>
        %add3A_119 = arith.addi %add3A_118, %iota3A : vector<16xi32>
        %gather3A_120 = tpu.vector_load_idx %arg5[%broadcast_in_dim3A_116, %add3A_119] : memref<50x128xi32, #tpu.memory_space<vmem>>[vector<16xi32>, vector<16xi32>], vector<16xi32>,
        %swap3A_121 = arith.constant 0 : index
        %swap3A_122 = tpu.vector_load %arg7[%swap3A_121] {strides = array<i32>} : memref<128xi32, #tpu.memory_space<vmem>>, vector<16xi32>,
        tpu.vector_store %arg7[%swap3A_121], %gather3A_120 {strides = array<i32>} : memref<128xi32, #tpu.memory_space<vmem>>, vector<16xi32>,
        %broadcast_in_dim3A_123 = vector.broadcast %add3A_108 : i32 to vector<16xi32>
        %add3A_124 = arith.constant 16 : i32
        %add3A_125 = vector.broadcast %add3A_124 : i32 to vector<16xi32>
        %add3A_126 = arith.addi %add3A_125, %iota3A : vector<16xi32>
        %gather3A_127 = tpu.vector_load_idx %arg5[%broadcast_in_dim3A_123, %add3A_126] : memref<50x128xi32, #tpu.memory_space<vmem>>[vector<16xi32>, vector<16xi32>], vector<16xi32>,
        %swap3A_128 = arith.constant 16 : index
        %swap3A_129 = tpu.vector_load %arg7[%swap3A_128] {strides = array<i32>} : memref<128xi32, #tpu.memory_space<vmem>>, vector<16xi32>,
        tpu.vector_store %arg7[%swap3A_128], %gather3A_127 {strides = array<i32>} : memref<128xi32, #tpu.memory_space<vmem>>, vector<16xi32>,
        %broadcast_in_dim3A_130 = vector.broadcast %add3A_108 : i32 to vector<16xi32>
        %add3A_131 = arith.constant 32 : i32
        %add3A_132 = vector.broadcast %add3A_131 : i32 to vector<16xi32>
        %add3A_133 = arith.addi %add3A_132, %iota3A : vector<16xi32>
        %gather3A_134 = tpu.vector_load_idx %arg5[%broadcast_in_dim3A_130, %add3A_133] : memref<50x128xi32, #tpu.memory_space<vmem>>[vector<16xi32>, vector<16xi32>], vector<16xi32>,
        %swap3A_135 = arith.constant 32 : index
        %swap3A_136 = tpu.vector_load %arg7[%swap3A_135] {strides = array<i32>} : memref<128xi32, #tpu.memory_space<vmem>>, vector<16xi32>,
        tpu.vector_store %arg7[%swap3A_135], %gather3A_134 {strides = array<i32>} : memref<128xi32, #tpu.memory_space<vmem>>, vector<16xi32>,
        %broadcast_in_dim3A_137 = vector.broadcast %add3A_108 : i32 to vector<16xi32>
        %add3A_138 = arith.constant 48 : i32
        %add3A_139 = vector.broadcast %add3A_138 : i32 to vector<16xi32>
        %add3A_140 = arith.addi %add3A_139, %iota3A : vector<16xi32>
        %gather3A_141 = tpu.vector_load_idx %arg5[%broadcast_in_dim3A_137, %add3A_140] : memref<50x128xi32, #tpu.memory_space<vmem>>[vector<16xi32>, vector<16xi32>], vector<16xi32>,
        %swap3A_142 = arith.constant 48 : index
        %swap3A_143 = tpu.vector_load %arg7[%swap3A_142] {strides = array<i32>} : memref<128xi32, #tpu.memory_space<vmem>>, vector<16xi32>,
        tpu.vector_store %arg7[%swap3A_142], %gather3A_141 {strides = array<i32>} : memref<128xi32, #tpu.memory_space<vmem>>, vector<16xi32>,
        %broadcast_in_dim3A_144 = vector.broadcast %add3A_108 : i32 to vector<16xi32>
        %add3A_145 = arith.constant 64 : i32
        %add3A_146 = vector.broadcast %add3A_145 : i32 to vector<16xi32>
        %add3A_147 = arith.addi %add3A_146, %iota3A : vector<16xi32>
        %gather3A_148 = tpu.vector_load_idx %arg5[%broadcast_in_dim3A_144, %add3A_147] : memref<50x128xi32, #tpu.memory_space<vmem>>[vector<16xi32>, vector<16xi32>], vector<16xi32>,
        %swap3A_149 = arith.constant 64 : index
        %swap3A_150 = tpu.vector_load %arg7[%swap3A_149] {strides = array<i32>} : memref<128xi32, #tpu.memory_space<vmem>>, vector<16xi32>,
        tpu.vector_store %arg7[%swap3A_149], %gather3A_148 {strides = array<i32>} : memref<128xi32, #tpu.memory_space<vmem>>, vector<16xi32>,
        %broadcast_in_dim3A_151 = vector.broadcast %add3A_108 : i32 to vector<16xi32>
        %add3A_152 = arith.constant 80 : i32
        %add3A_153 = vector.broadcast %add3A_152 : i32 to vector<16xi32>
        %add3A_154 = arith.addi %add3A_153, %iota3A : vector<16xi32>
        %gather3A_155 = tpu.vector_load_idx %arg5[%broadcast_in_dim3A_151, %add3A_154] : memref<50x128xi32, #tpu.memory_space<vmem>>[vector<16xi32>, vector<16xi32>], vector<16xi32>,
        %swap3A_156 = arith.constant 80 : index
        %swap3A_157 = tpu.vector_load %arg7[%swap3A_156] {strides = array<i32>} : memref<128xi32, #tpu.memory_space<vmem>>, vector<16xi32>,
        tpu.vector_store %arg7[%swap3A_156], %gather3A_155 {strides = array<i32>} : memref<128xi32, #tpu.memory_space<vmem>>, vector<16xi32>,
        %broadcast_in_dim3A_158 = vector.broadcast %add3A_108 : i32 to vector<16xi32>
        %add3A_159 = arith.constant 96 : i32
        %add3A_160 = vector.broadcast %add3A_159 : i32 to vector<16xi32>
        %add3A_161 = arith.addi %add3A_160, %iota3A : vector<16xi32>
        %gather3A_162 = tpu.vector_load_idx %arg5[%broadcast_in_dim3A_158, %add3A_161] : memref<50x128xi32, #tpu.memory_space<vmem>>[vector<16xi32>, vector<16xi32>], vector<16xi32>,
        %swap3A_163 = arith.constant 96 : index
        %swap3A_164 = tpu.vector_load %arg7[%swap3A_163] {strides = array<i32>} : memref<128xi32, #tpu.memory_space<vmem>>, vector<16xi32>,
        tpu.vector_store %arg7[%swap3A_163], %gather3A_162 {strides = array<i32>} : memref<128xi32, #tpu.memory_space<vmem>>, vector<16xi32>,
        %broadcast_in_dim3A_165 = vector.broadcast %add3A_108 : i32 to vector<16xi32>
        %add3A_166 = arith.constant 112 : i32
        %add3A_167 = vector.broadcast %add3A_166 : i32 to vector<16xi32>
        %add3A_168 = arith.addi %add3A_167, %iota3A : vector<16xi32>
        %gather3A_169 = tpu.vector_load_idx %arg5[%broadcast_in_dim3A_165, %add3A_168] : memref<50x128xi32, #tpu.memory_space<vmem>>[vector<16xi32>, vector<16xi32>], vector<16xi32>,
        %swap3A_170 = arith.constant 112 : index
        %swap3A_171 = tpu.vector_load %arg7[%swap3A_170] {strides = array<i32>} : memref<128xi32, #tpu.memory_space<vmem>>, vector<16xi32>,
        tpu.vector_store %arg7[%swap3A_170], %gather3A_169 {strides = array<i32>} : memref<128xi32, #tpu.memory_space<vmem>>, vector<16xi32>,
        %dma_start3A_172 = arith.constant 1 : i32
        %dma_start3A_173 = arith.constant 0 : i32
        %dma_start3A_174 = arith.constant 0 : i32
        %dma_start3A_175 = tpu.memref_slice %arg3[%dma_start3A_173, %dma_start3A_174] : memref<1000000x32xf32, #tpu.memory_space<hbm>> -> memref<1000000x32xf32, #tpu.memory_space<hbm>>
        %dma_start3A_176 = tpu.memref_slice %arg10[%dma_start3A_172] : memref<2x!tpu.dma_semaphore, #tpu.memory_space<semaphore_mem>> -> memref<1x!tpu.dma_semaphore, #tpu.memory_space<semaphore_mem>>
        %dma_start3A_177 = tpu.memref_squeeze %dma_start3A_176 : memref<1x!tpu.dma_semaphore, #tpu.memory_space<semaphore_mem>> -> memref<!tpu.dma_semaphore, #tpu.memory_space<semaphore_mem>>
        tpu.enqueue_indirect_dma source(%dma_start3A_175 : memref<1000000x32xf32, #tpu.memory_space<hbm>>) target(%arg9 : memref<128x32xf32, #tpu.memory_space<vmem>>) offsets(%arg7 : memref<128xi32, #tpu.memory_space<vmem>>) semaphore(%dma_start3A_177 : memref<!tpu.dma_semaphore, #tpu.memory_space<semaphore_mem>>)
        %dma_wait3A_178 = arith.constant 0 : i32
        %dma_wait3A_179 = arith.constant 0 : i32
        %dma_wait3A_180 = arith.constant 0 : i32
        %dma_wait3A_181 = tpu.memref_slice %arg3[%dma_wait3A_179, %dma_wait3A_180] : memref<1000000x32xf32, #tpu.memory_space<hbm>> -> memref<1000000x32xf32, #tpu.memory_space<hbm>>
        %dma_wait3A_182 = tpu.memref_slice %arg10[%dma_wait3A_178] : memref<2x!tpu.dma_semaphore, #tpu.memory_space<semaphore_mem>> -> memref<1x!tpu.dma_semaphore, #tpu.memory_space<semaphore_mem>>
        %dma_wait3A_183 = tpu.memref_squeeze %dma_wait3A_182 : memref<1x!tpu.dma_semaphore, #tpu.memory_space<semaphore_mem>> -> memref<!tpu.dma_semaphore, #tpu.memory_space<semaphore_mem>>
        tpu.wait_indirect_dma semaphore(%dma_wait3A_183 : memref<!tpu.dma_semaphore, #tpu.memory_space<semaphore_mem>>) src(%dma_wait3A_181 : memref<1000000x32xf32, #tpu.memory_space<hbm>>) dst(%arg8 : memref<128x32xf32, #tpu.memory_space<vmem>>)
        %dma_start3A_184 = arith.constant 0 : i32
        %dma_start3A_185 = arith.constant 0 : i32
        %dma_start3A_186 = tpu.memref_slice %arg4[%mul3A_46, %mul3A_36, %dma_start3A_185] : memref<50x16384x32xf32, #tpu.memory_space<hbm>> -> memref<1x128x32xf32, #tpu.memory_space<hbm>>
        %dma_start3A_187 = tpu.memref_squeeze %dma_start3A_186 : memref<1x128x32xf32, #tpu.memory_space<hbm>> -> memref<128x32xf32, #tpu.memory_space<hbm>>
        %dma_start3A_188 = tpu.memref_slice %arg11[%dma_start3A_184] : memref<2x!tpu.dma_semaphore, #tpu.memory_space<semaphore_mem>> -> memref<1x!tpu.dma_semaphore, #tpu.memory_space<semaphore_mem>>
        %dma_start3A_189 = tpu.memref_squeeze %dma_start3A_188 : memref<1x!tpu.dma_semaphore, #tpu.memory_space<semaphore_mem>> -> memref<!tpu.dma_semaphore, #tpu.memory_space<semaphore_mem>>
        %dma_start3A_190 = arith.constant 0 : i32
        %dma_start3A_191 = tpu.memref_slice %arg4[%mul3A_46, %mul3A_36, %dma_start3A_190] : memref<50x16384x32xf32, #tpu.memory_space<hbm>> -> memref<1x128x32xf32, #tpu.memory_space<hbm>>
        %dma_start3A_192 = tpu.memref_squeeze %dma_start3A_191 : memref<1x128x32xf32, #tpu.memory_space<hbm>> -> memref<128x32xf32, #tpu.memory_space<hbm>>
        tpu.enqueue_dma source(%arg8 : memref<128x32xf32, #tpu.memory_space<vmem>>) target(%dma_start3A_192 : memref<128x32xf32, #tpu.memory_space<hbm>>) target_semaphore(%dma_start3A_189 : memref<!tpu.dma_semaphore, #tpu.memory_space<semaphore_mem>>)
        %add3A_193 = arith.constant 1 : i32
        %add3A_194 = arith.addi %mul3A_46, %add3A_193 : i32
        %dma_wait3A_195 = arith.constant 1 : i32
        %dma_wait3A_196 = arith.constant 0 : i32
        %dma_wait3A_197 = arith.constant 0 : i32
        %dma_wait3A_198 = tpu.memref_slice %arg3[%dma_wait3A_196, %dma_wait3A_197] : memref<1000000x32xf32, #tpu.memory_space<hbm>> -> memref<1000000x32xf32, #tpu.memory_space<hbm>>
        %dma_wait3A_199 = tpu.memref_slice %arg10[%dma_wait3A_195] : memref<2x!tpu.dma_semaphore, #tpu.memory_space<semaphore_mem>> -> memref<1x!tpu.dma_semaphore, #tpu.memory_space<semaphore_mem>>
        %dma_wait3A_200 = tpu.memref_squeeze %dma_wait3A_199 : memref<1x!tpu.dma_semaphore, #tpu.memory_space<semaphore_mem>> -> memref<!tpu.dma_semaphore, #tpu.memory_space<semaphore_mem>>
        tpu.wait_indirect_dma semaphore(%dma_wait3A_200 : memref<!tpu.dma_semaphore, #tpu.memory_space<semaphore_mem>>) src(%dma_wait3A_198 : memref<1000000x32xf32, #tpu.memory_space<hbm>>) dst(%arg9 : memref<128x32xf32, #tpu.memory_space<vmem>>)
        %dma_start3A_201 = arith.constant 1 : i32
        %dma_start3A_202 = arith.constant 0 : i32
        %dma_start3A_203 = tpu.memref_slice %arg4[%add3A_194, %mul3A_36, %dma_start3A_202] : memref<50x16384x32xf32, #tpu.memory_space<hbm>> -> memref<1x128x32xf32, #tpu.memory_space<hbm>>
        %dma_start3A_204 = tpu.memref_squeeze %dma_start3A_203 : memref<1x128x32xf32, #tpu.memory_space<hbm>> -> memref<128x32xf32, #tpu.memory_space<hbm>>
        %dma_start3A_205 = tpu.memref_slice %arg11[%dma_start3A_201] : memref<2x!tpu.dma_semaphore, #tpu.memory_space<semaphore_mem>> -> memref<1x!tpu.dma_semaphore, #tpu.memory_space<semaphore_mem>>
        %dma_start3A_206 = tpu.memref_squeeze %dma_start3A_205 : memref<1x!tpu.dma_semaphore, #tpu.memory_space<semaphore_mem>> -> memref<!tpu.dma_semaphore, #tpu.memory_space<semaphore_mem>>
        %dma_start3A_207 = arith.constant 0 : i32
        %dma_start3A_208 = tpu.memref_slice %arg4[%add3A_194, %mul3A_36, %dma_start3A_207] : memref<50x16384x32xf32, #tpu.memory_space<hbm>> -> memref<1x128x32xf32, #tpu.memory_space<hbm>>
        %dma_start3A_209 = tpu.memref_squeeze %dma_start3A_208 : memref<1x128x32xf32, #tpu.memory_space<hbm>> -> memref<128x32xf32, #tpu.memory_space<hbm>>
        tpu.enqueue_dma source(%arg9 : memref<128x32xf32, #tpu.memory_space<vmem>>) target(%dma_start3A_209 : memref<128x32xf32, #tpu.memory_space<hbm>>) target_semaphore(%dma_start3A_206 : memref<!tpu.dma_semaphore, #tpu.memory_space<semaphore_mem>>)
        %add3A_210 = arith.constant 2 : i32
        %add3A_211 = arith.addi %scan3A_44, %add3A_210 : i32
        scf.yield %add3A_211 : i32
      }
      %scan3A_42 = arith.constant 25 : i32
      scf.yield %scan3A_41 : i32
    }
    %scan3A_6 = arith.constant 4 : i32
    %dma_wait3A = arith.constant 0 : i32
    %dma_wait3A_7 = arith.constant 0 : i32
    %dma_wait3A_8 = arith.constant 0 : i32
    %dma_wait3A_9 = arith.constant 0 : i32
    %dma_wait3A_10 = tpu.memref_slice %arg4[%dma_wait3A, %dma_wait3A_8, %dma_wait3A_9] : memref<50x16384x32xf32, #tpu.memory_space<hbm>> -> memref<1x128x32xf32, #tpu.memory_space<hbm>>
    %dma_wait3A_11 = tpu.memref_squeeze %dma_wait3A_10 : memref<1x128x32xf32, #tpu.memory_space<hbm>> -> memref<128x32xf32, #tpu.memory_space<hbm>>
    %dma_wait3A_12 = tpu.memref_slice %arg11[%dma_wait3A_7] : memref<2x!tpu.dma_semaphore, #tpu.memory_space<semaphore_mem>> -> memref<1x!tpu.dma_semaphore, #tpu.memory_space<semaphore_mem>>
    %dma_wait3A_13 = tpu.memref_squeeze %dma_wait3A_12 : memref<1x!tpu.dma_semaphore, #tpu.memory_space<semaphore_mem>> -> memref<!tpu.dma_semaphore, #tpu.memory_space<semaphore_mem>>
    %dma_wait3A_14 = arith.constant 0 : i32
    %dma_wait3A_15 = arith.constant 0 : i32
    %dma_wait3A_16 = tpu.memref_slice %arg4[%dma_wait3A, %dma_wait3A_14, %dma_wait3A_15] : memref<50x16384x32xf32, #tpu.memory_space<hbm>> -> memref<1x128x32xf32, #tpu.memory_space<hbm>>
    %dma_wait3A_17 = tpu.memref_squeeze %dma_wait3A_16 : memref<1x128x32xf32, #tpu.memory_space<hbm>> -> memref<128x32xf32, #tpu.memory_space<hbm>>
    tpu.wait_dma2 semaphore(%dma_wait3A_13 : memref<!tpu.dma_semaphore, #tpu.memory_space<semaphore_mem>>) src(%arg8 : memref<128x32xf32, #tpu.memory_space<vmem>>) dst(%dma_wait3A_17 : memref<128x32xf32, #tpu.memory_space<hbm>>)
    %dma_wait3A_18 = arith.constant 0 : i32
    %dma_wait3A_19 = arith.constant 1 : i32
    %dma_wait3A_20 = arith.constant 0 : i32
    %dma_wait3A_21 = arith.constant 0 : i32
    %dma_wait3A_22 = tpu.memref_slice %arg4[%dma_wait3A_18, %dma_wait3A_20, %dma_wait3A_21] : memref<50x16384x32xf32, #tpu.memory_space<hbm>> -> memref<1x128x32xf32, #tpu.memory_space<hbm>>
    %dma_wait3A_23 = tpu.memref_squeeze %dma_wait3A_22 : memref<1x128x32xf32, #tpu.memory_space<hbm>> -> memref<128x32xf32, #tpu.memory_space<hbm>>
    %dma_wait3A_24 = tpu.memref_slice %arg11[%dma_wait3A_19] : memref<2x!tpu.dma_semaphore, #tpu.memory_space<semaphore_mem>> -> memref<1x!tpu.dma_semaphore, #tpu.memory_space<semaphore_mem>>
    %dma_wait3A_25 = tpu.memref_squeeze %dma_wait3A_24 : memref<1x!tpu.dma_semaphore, #tpu.memory_space<semaphore_mem>> -> memref<!tpu.dma_semaphore, #tpu.memory_space<semaphore_mem>>
    %dma_wait3A_26 = arith.constant 0 : i32
    %dma_wait3A_27 = arith.constant 0 : i32
    %dma_wait3A_28 = tpu.memref_slice %arg4[%dma_wait3A_18, %dma_wait3A_26, %dma_wait3A_27] : memref<50x16384x32xf32, #tpu.memory_space<hbm>> -> memref<1x128x32xf32, #tpu.memory_space<hbm>>
    %dma_wait3A_29 = tpu.memref_squeeze %dma_wait3A_28 : memref<1x128x32xf32, #tpu.memory_space<hbm>> -> memref<128x32xf32, #tpu.memory_space<hbm>>
    tpu.wait_dma2 semaphore(%dma_wait3A_25 : memref<!tpu.dma_semaphore, #tpu.memory_space<semaphore_mem>>) src(%arg9 : memref<128x32xf32, #tpu.memory_space<vmem>>) dst(%dma_wait3A_29 : memref<128x32xf32, #tpu.memory_space<hbm>>)
    return
  }
}

</mosaic_0001>

<sc_bundles>
// kernel: kernel.3.cloned.1.call-start
scs
__scs_entry_jumppad:
0x0: {  	(pc) =	sbr.rel $0x88, $3  }
0x1: {  	(tag) =	ssettag $0x0;
	lr =	simm.s32 $0x1  }
0x2: {  	[smem:$0x3F9F] =	sst lr;
	_ =	strace $0xD0000000  }
0x3: {  	_ = 	snop  }
0x4: {  	_ = 	snop  }
0x5: {  	_ = 	snop  }
0x6: {  	_ = 	snop  }
0x7: {  	_ = 	snop  }
__scs_overlays_trampoline_lowered:
0x8: {  	[smem:$0x3FAE] =	sst s0  }
0x9: {  	[smem:$0x3FAF] =	sst s1  }
0xa: {  	[smem:$0x3FB0] =	sst s2  }
0xb: {  	[smem:$0x3FB1] =	sst s3  }
0xc: {  	[smem:$0x3FB2] =	sst s4  }
0xd: {  	[smem:$0x3FB3] =	sst s5  }
0xe: {  	[smem:$0x3FB4] =	sst s6  }
0xf: {  	[smem:$0x3FB5] =	sst s7  }
0x10: {  	[smem:$0x3FB6] =	sst s8  }
0x11: {  	[smem:$0x3FB7] =	sst s9;
	s0 =	simm.s32 @!p0 $0x0  }
0x12: {  	s1 =	sld [smem:$0x3F9D];
	s0 =	simm.s32 @p0 $0x1  }
0x13: {  	[smem:$0x3FB8] =	sst s0;
	s0 =	simm.s32 @!p1 $0x0  }
0x14: {  	s2 =	sld [smem:$0x3F9C];
	s0 =	simm.s32 @p1 $0x1  }
0x15: {  	[smem:$0x3FB9] =	sst s0;
	s0 =	simm.s32 @!p2 $0x0  }
0x16: {  	s3 =	sld [smem:$0x3FDB];
	s0 =	simm.s32 @p2 $0x1  }
0x17: {  	s4 =	simm.s32 $0x1BF5;
	[smem:$0x3FBB] =	sst s0  }
0x18: {  	s0 =	sld [smem:$0x3F9E];
	_ =	swait.ge [sflag:s4], $0x0  }
0x19: {  	s7 =	sld [smem:$0x3F9F]  }
0x1a: {  	s8 =	sadd.s32 $0xFFFFE003, lr  }
0x1b: {  	s9 =	sadd.s32 $0xFFFFFEF7, lr;
	s5 =	simm.s32 $0xFFFFFFFF;
	p2 =	slt.u32 s8, $0xFFFFF086  }
0x1c: {  	p1 =	slt.u32 s9, $0xF7A;
	s5 =	simm.s32 @!p2 $0x0  }
0x1d: {  	s5 =	simm.s32 @p1 $0x1;
	p0 =	seq.s32 s7, s2  }
0x1e: {  	s7 =	smul.u32 @!p0 $0xF7A, s2;
	p2 =	seq.s32 @!p0 s5, $0x0  }
0x1f: {  	s9 =	smul.u32 $0xF7A, s1;
	s8 =	simm.s32 @!p0 $0x1BF5;
	p2 =	por !p2, p0  }
0x20: {  	[sflag:s8] =	ssyncset.s32 @!p0 $0xFFFFF086;
	s6 =	sadd.s32 @!p0 s3, s7;
	s7 =	simm.s32 @!p0 $0x108  }
0x21: {  	s3 =	sadd.s32 s3, s9;
	s6 =	sadd.s32 @!p0 $0x88, s6;
	s7 =	simm.s32 @p2 $0x1082  }
0x22: {  	[simem:s7], [sflag:s8] =	dma.local @!p0 [hbm:s6], $0xF7A  }
0x23: {  	s9 =	sor.u32 $0xD0000000, s2;
	s6 =	simm.s32 $0x108;
	_ =	swait.ge @!p0 [sflag:s8], $0x0  }
0x24: {  	s3 =	sadd.s32 $0x88, s3;
	s6 =	simm.s32 @!p1 $0x1082;
	[sflag:s4] =	ssyncset.s32 $0xFFFFF086  }
0x25: {  	[simem:s6], [sflag:s4] =	dma.local [hbm:s3], $0xF7A  }
0x26: {  	[smem:$0x3F9F] =	sst s1;
	(tag) =	ssettag s2;
	_ =	strace s9  }
0x27: {  	s1 =	sld [smem:$0x3FAF]  }
0x28: {  	s2 =	sld [smem:$0x3FB0]  }
0x29: {  	s4 =	sld [smem:$0x3FB2]  }
0x2a: {  	p0 =	seq.s32 s5, $0x0;
	s5 =	sld [smem:$0x3FB3]  }
0x2b: {  	s6 =	sld [smem:$0x3FB4]  }
0x2c: {  	s7 =	sld [smem:$0x3FB5]  }
0x2d: {  	s3 =	simm.s32 $0x108;
	s8 =	sld [smem:$0x3FB6]  }
0x2e: {  	s3 =	simm.s32 @!p0 $0x1082;
	s9 =	sld [smem:$0x3FB7]  }
0x2f: {  	lr =	sadd.s32 s0, s3;
	s0 =	sld [smem:$0x3FAE]  }
0x30: {  	s3 =	sld [smem:$0x3FB1]  }
0x31: {  	[smem:$0x3FBA] =	sst s10  }
0x32: {  	s10 =	sld [smem:$0x3FB8];
	_ =	sdelay $0x3  }
0x33: {  	p0 =	seq.s32 s10, $0x1;
	s10 =	sld [smem:$0x3FBA];
	_ =	sdelay $0x3  }
0x34: {  	[smem:$0x3FBA] =	sst s10  }
0x35: {  	s10 =	sld [smem:$0x3FB9];
	_ =	sdelay $0x3  }
0x36: {  	p1 =	seq.s32 s10, $0x1;
	s10 =	sld [smem:$0x3FBA];
	_ =	sdelay $0x3  }
0x37: {  	[smem:$0x3FBA] =	sst s10  }
0x38: {  	s10 =	sld [smem:$0x3FBB]  }
0x39: {  	_ = 	snop;
	(pc) =	sbr.ind lr, $3  }
0x3a: {  	_ = 	snop  }
0x3b: {  	_ = 	snop  }
0x3c: {  	p2 =	seq.s32 s10, $0x1;
	s10 =	sld [smem:$0x3FBA]  }
0x3d: {  	_ =	shalt  }
0x3e: {  	_ =	shalt  }
0x3f: {  	_ =	shalt  }
0x40: {  	_ =	shalt  }
0x41: {  	_ =	shalt  }
0x42: {  	_ =	shalt  }
0x43: {  	_ =	shalt  }
0x44: {  	_ =	shalt  }
0x45: {  	_ =	shalt  }
0x46: {  	_ =	shalt  }
0x47: {  	_ =	shalt  }
0x48: {  	_ =	shalt  }
0x49: {  	_ =	shalt  }
0x4a: {  	_ =	shalt  }
0x4b: {  	_ =	shalt  }
0x4c: {  	_ =	shalt  }
0x4d: {  	_ =	shalt  }
0x4e: {  	_ =	shalt  }
0x4f: {  	_ =	shalt  }
0x50: {  	_ =	shalt  }
0x51: {  	_ =	shalt  }
0x52: {  	_ =	shalt  }
0x53: {  	_ =	shalt  }
0x54: {  	_ =	shalt  }
0x55: {  	_ =	shalt  }
0x56: {  	_ =	shalt  }
0x57: {  	_ =	shalt  }
0x58: {  	_ =	shalt  }
0x59: {  	_ =	shalt  }
0x5a: {  	_ =	shalt  }
0x5b: {  	_ =	shalt  }
0x5c: {  	_ =	shalt  }
0x5d: {  	_ =	shalt  }
0x5e: {  	_ =	shalt  }
0x5f: {  	_ =	shalt  }
0x60: {  	_ =	shalt  }
0x61: {  	_ =	shalt  }
0x62: {  	_ =	shalt  }
0x63: {  	_ =	shalt  }
0x64: {  	_ =	shalt  }
0x65: {  	_ =	shalt  }
0x66: {  	_ =	shalt  }
0x67: {  	_ =	shalt  }
0x68: {  	_ =	shalt  }
0x69: {  	_ =	shalt  }
0x6a: {  	_ =	shalt  }
0x6b: {  	_ =	shalt  }
0x6c: {  	_ =	shalt  }
0x6d: {  	_ =	shalt  }
0x6e: {  	_ =	shalt  }
0x6f: {  	_ =	shalt  }
0x70: {  	_ =	shalt  }
0x71: {  	_ =	shalt  }
0x72: {  	_ =	shalt  }
0x73: {  	_ =	shalt  }
0x74: {  	_ =	shalt  }
0x75: {  	_ =	shalt  }
0x76: {  	_ =	shalt  }
0x77: {  	_ =	shalt  }
0x78: {  	_ =	shalt  }
0x79: {  	_ =	shalt  }
0x7a: {  	_ =	shalt  }
0x7b: {  	_ =	shalt  }
0x7c: {  	_ =	shalt  }
0x7d: {  	_ =	shalt  }
0x7e: {  	_ =	shalt  }
0x7f: {  	_ =	shalt  }
0x80: {  	_ =	shalt  }
0x81: {  	_ =	shalt  }
0x82: {  	_ =	shalt  }
0x83: {  	_ =	shalt  }
0x84: {  	_ =	shalt  }
0x85: {  	_ =	shalt  }
0x86: {  	_ =	shalt  }
0x87: {  	_ =	shalt  }
.Lfunc_end0:
.L_simem_size_0:
called_computation.1_lowered:
.L_overlay_start_0:
0x88: {  	s2 =	sld [smem:$0x3FD9]  }
0x89: {  	s3 =	sld [smem:$0x3FFE];
	_ =	sdelay $0x1  }
0x8a: {  	s1 =	srdreg.scid  }
0x8b: {  	s0 =	sand.u32 $0x1, s1  }
0x8c: {  	s17 =	sshll.u32 s0, $0xA;
	s2 =	sadd.s32 s3, s2  }
0x8d: {  	s2 =	sadd.s32 s2, s17  }
0x8e: {  	[smem:$0x3FC6] =	sst s2  }
0x8f: {  	_ = 	snop  }
0x90: {  	s2 =	sld [smem:$0x3FD0];
	(tm) =	ssettm $0x1  }
0x91: {  	s18 =	sld [smem:$0x3FFB];
	_ =	sdelay $0x3  }
0x92: {  	_ =	strace s18  }
0x93: {  	s3 =	sld [smem:$0x3FFC];
	_ =	sdelay $0x3  }
0x94: {  	_ =	strace s3  }
0x95: {  	s3 =	sld [smem:$0x3FFD];
	_ =	sdelay $0x3  }
0x96: {  	_ =	strace s3  }
0x97: {  	_ =	strace $0x8FFFFFFF  }
0x98: {  	s19 =	sld [smem:$0x3FDB];
	_ =	sdelay $0x1  }
0x99: {  	s4 =	simm.s32 $_scs_section_size  }
0x9a: {  	s5 =	simm.s32 $_size__tile_overlayer_lowered;
	s6 =	simm.s32 $_tile_overlayer_lowered  }
0x9b: {  	s22 =	simm.s32 $0x1BFF;
	s21 =	sshll.u32 s6, $0x1;
	s3 =	sadd.s32 s4, s19  }
0x9c: {  	s7 =	simm.s32 $0x0;
	s20 =	sshll.u32 s5, $0x1;
	s5 =	sadd.s32 s21, s3  }
0x9d: {  	[timem:s7], [sflag:s22] =	dma.local [hbm:s5], s20  }
0x9e: {  	_ =	swait.ge [sflag:s22], s20  }
0x9f: {  	s4 =	ssub.s32 $0x0, s20;
	[sflag:s22] =	ssyncset.done $0x0  }
0xa0: {  	[sflag:s22] =	ssyncadd.s32 s4;
	_ =	sdelay $0x1  }
0xa1: {  	s23 =	simm.s32 $0x1B8B  }
0xa2: {  	_ =	swait.ge [sflag:s23], $0x1  }
0xa3: {  	[sflag:s23] =	ssyncset.done $0x0  }
0xa4: {  	s25 =	simm.s32 $0x1B8E;
	s24 =	sld [smem:$0x3FFE];
	[sflag:s23] =	ssyncadd.s32 $0xFFFFFFFF  }
0xa5: {  	s26 =	simm.s32 $execute0_lowered;
	[smem:$0x3FD2] =	sst s25  }
0xa6: {  	s5 =	sshll.u32 s26, $0x1;
	_ =	strace $0x80000046;
	[dreg:$0x1] =	wrdreg $0xFFFFFFFF  }
0xa7: {  	s28 =	simm.s32 $_size_execute0_lowered;
	s3 =	sadd.s32 s3, s5;
	[dreg:$0x0] =	wrdreg $0x0  }
0xa8: {  	s5 =	sshll.u32 s28, $0x1;
	[dreg:$0x2] =	wrdreg s3  }
0xa9: {  	[dreg:$0x3] =	wrdreg s5  }
0xaa: {  	[dreg:$0x4] =	wrdreg $0xC0  }
0xab: {  	_ =	task [dreg:s7], $0x5FFFF  }
0xac: {  	[dreg:$0x1] =	wrdreg $0xFFFFFFFF  }
0xad: {  	[dreg:$0x0] =	wrdreg $0x60  }
0xae: {  	[dreg:$0x2] =	wrdreg s24  }
0xaf: {  	[dreg:$0x3] =	wrdreg s2  }
0xb0: {  	[dreg:$0x4] =	wrdreg $0x9  }
0xb1: {  	_ =	task.clear_ibuf [dreg:s7], $0x5FFFF;
	_ =	strace $0x90000046  }
0xb2: {  	s29 =	simm.s32 $0x9;
	_ =	strace $0x80000048  }
0xb3: {  	_ =	swait.ge [sflag:s29], $0x1  }
0xb4: {  	[sflag:s29] =	ssyncadd.s32 $0xFFFFFFFF  }
0xb5: {  	_ =	strace $0x90000048  }
0xb6: {  	_ =	sfence  }
0xb7: {  	s30 =	sld [smem:$0x0];
	_ =	sdelay $0x2  }
0xb8: {  	s31 =	sshll.u32 s1, $0xD;
	s1 =	sshrl.u32 s1, $0x2  }
0xb9: {  	s3 =	sand.u32 $0x4000, s31;
	s1 =	sadd.s32 s1, s30  }
0xba: {  	s0 =	sor.u32 s3, s0;
	s1 =	sshll.u32 s1, $0x11  }
0xbb: {  	s0 =	sor.u32 s1, s0  }
0xbc: {  	s0 =	sadd.s32 $0x8F2B, s0  }
0xbd: {  	[sflag:s0] =	ssyncadd.remote.s32 $0x1  }
0xbe: {  	_ =	sfence.sel $0xFFFF  }
0xbf: {  	[dreg:$0x0] =	wrdreg $0xFFFFFFFF;
	(pc) =	sbr.abs _section_cstart, $3  }
0xc0: {  	[dreg:$0x1] =	wrdreg $0xFFFFFFFF  }
0xc1: {  	_ =	task.clear_ibuf [dreg:s7], $0x2FFFF;
	_ =	strace $0x9FFFFFFF  }
0xc2: {  	(tm) =	ssettm $0x7FFFFFFF  }
0xc3: {  	_ =	shalt  }
tec
execute0_lowered:
.L_overlay_start_1:
0x0: {  	(tag) =	ssettag $0x1  }
0x1: {  	s0 =	rddreg [dreg:$0x0]  }
0x2: {  	s2 =	rddreg [dreg:$0x1]  }
0x3: {  	s1 =	simm.s32 $0x0;
	s3 =	srdreg.scid;
	s10 =	stileid.u32  }
0x4: {  	s11 =	simm.s32 $0x5;
	s12 =	simm.s32 $0x1900;
	s13 =	simm.s32 $0x1A00  }
0x5: {  	s14 =	simm.s32 $0x1980;
	s15 =	simm.s32 $0x2A00;
	s16 =	simm.s32 $0x1  }
0x6: {  	s17 =	simm.s32 $0x2;
	s18 =	simm.s32 $0x3;
	s19 =	simm.s32 $0x4  }
0x7: {  	s20 =	simm.s32 $0x0;
	[smem:$0x7FF] =	sst s1;
	s5 =	sand.u32 $0x1, s3  }
0x8: {  	s3 =	sadd.s32 $0xA00, s0;
	s8 =	sshll.u32 s10, $0xF;
	s4 =	sadd.s32 $0xF42E00, s0  }
0x9: {  	s30 =	sshll.u32 s10, $0x3;
	s10 =	simm.s32 $0x4000;
	_ =	strace $0x80000047  }
0xa: {  	s6 =	ssub.s32 $0x2, s5;
	s9 =	sshll.u32 s5, $0xE;
	s5 =	sshll.u32 s5, $0x2  }
0xb: {  	v0 =	vlaneseq.u32;
	s7 =	sshrl.u32 s6, $0x1;
	s29 =	sor.u32 s9, s8;
	s5 =	sor.u32 s5, s30  }
0xc: {  	v1 =	vor.u32 $0x10, v0;
	s9 =	simm.s32 $0x80;
	s28 =	ssub.s32 s6, s7;
	s8 =	sor.u32 $0x80000, s29  }
0xd: {  	v2 =	vor.u32 $0x20, v0;
	v3 =	vor.u32 $0x30, v0;
	v4 =	vor.u32 $0x40, v0;
	s31 =	sshrl.u32 s29, $0x3;
	s8 =	sshrl.u32 s8, $0x3;
	s0 =	smax.u32 s28, $0x1  }
0xe: {  	v5 =	vor.u32 $0x50, v0;
	v6 =	vor.u32 $0x60, v0;
	v7 =	vor.u32 $0x70, v0;
	s7 =	sadd.s32 s31, s2;
	[dreg:$0x3] =	wrdreg s0;
	s8 =	sadd.s32 s8, s2  }
.LBB2_1:
0xf: {  	s21 =	smov.u32 s8  }
0x10: {  	s22 =	smov.u32 s7;
	s23 =	simm.s32 $0x0;
	s24 =	simm.s32 $0x0  }
.LBB2_2:
0x11: {  	s0 =	sadd.s32 s5, s24  }
0x12: {  	s0 =	sshll.u32 s0, $0x4  }
0x13: {  	s2 =	simm.s32 $0x0;
	s0 =	sadd.s32 s3, s0  }
0x14: {  	[tilespmem:s2], [sflag:$0x5] =	stream.strided.gather [hbm4b:s0+s9], $0x1900, s10, s9, $0x38;
	[tilespmem:$0x3A00] =	vst v63  }
0x15: {  	s6 =	simm.s32 $0x0;
	s0 =	sadd.s32 $0x0, s23;
	_ =	swait.ge [sflag:s11], $0x1900  }
0x16: {  	v8 =	vor.u32 s6, v0;
	p0 =	slt.s32 s0, $0x2;
	[sflag:s11] =	ssyncset.done $0x0  }
0x17: {  	s25 =	simm.s32 @!p0 $0x3;
	[sflag:s11] =	ssyncadd.s32 $0xFFFFE700  }
0x18: {  	_ =	swait.ge @!p0 [sflag:s25], $0x1000  }
0x19: {  	[sflag:s25] =	ssyncset.done @!p0 $0x0  }
0x1a: {  	[sflag:s25] =	ssyncadd.s32 @!p0 $0xFFFFF000  }
0x1b: {  	v8 =	vld.idx.msk [tilespmem:v8+s1+$0x0], $0xffff  }
0x1c: {  	v9 =	vor.u32 s6, v1;
	_ =	sdelay $0x3  }
0x1d: {  	[tilespmem:$0x1900] =	vst v8  }
0x1e: {  	v8 =	vld.idx.msk [tilespmem:v9+s1+$0x0], $0xffff  }
0x1f: {  	v9 =	vor.u32 s6, v2;
	_ =	sdelay $0x3  }
0x20: {  	[tilespmem:$0x1910] =	vst v8  }
0x21: {  	v8 =	vld.idx.msk [tilespmem:v9+s1+$0x0], $0xffff  }
0x22: {  	v9 =	vor.u32 s6, v3;
	_ =	sdelay $0x3  }
0x23: {  	[tilespmem:$0x1920] =	vst v8  }
0x24: {  	v8 =	vld.idx.msk [tilespmem:v9+s1+$0x0], $0xffff  }
0x25: {  	v9 =	vor.u32 s6, v4;
	_ =	sdelay $0x3  }
0x26: {  	[tilespmem:$0x1930] =	vst v8  }
0x27: {  	v8 =	vld.idx.msk [tilespmem:v9+s1+$0x0], $0xffff  }
0x28: {  	v9 =	vor.u32 s6, v5;
	_ =	sdelay $0x3  }
0x29: {  	[tilespmem:$0x1940] =	vst v8  }
0x2a: {  	v8 =	vld.idx.msk [tilespmem:v9+s1+$0x0], $0xffff  }
0x2b: {  	v9 =	vor.u32 s6, v6;
	_ =	sdelay $0x3  }
0x2c: {  	[tilespmem:$0x1950] =	vst v8  }
0x2d: {  	v8 =	vld.idx.msk [tilespmem:v9+s1+$0x0], $0xffff  }
0x2e: {  	v9 =	vor.u32 s6, v7;
	_ =	sdelay $0x3  }
0x2f: {  	[tilespmem:$0x1960] =	vst v8  }
0x30: {  	v8 =	vld.idx.msk [tilespmem:v9+s1+$0x0], $0xffff;
	_ =	sdelay $0x3  }
0x31: {  	s26 =	simm.s32 $0x80;
	p0 =	slt.s32 s0, $0x1  }
0x32: {  	s0 =	simm.s32 @!p0 $0x4;
	v9 =	vor.u32 s26, v0;
	[tilespmem:$0x1970] =	vst v8  }
0x33: {  	[tilespmem:s13], [sflag:$0x1] =	stream.indirect.gather [hbm4b:s4+s9], $0x20, s12, s9, $0xb8;
	[tilespmem:$0x3A00] =	vst v63  }
0x34: {  	_ =	swait.ge @!p0 [sflag:s0], $0x1000  }
0x35: {  	[sflag:s0] =	ssyncset.done @!p0 $0x0  }
0x36: {  	[sflag:s0] =	ssyncadd.s32 @!p0 $0xFFFFF000  }
0x37: {  	v8 =	vld.idx.msk [tilespmem:v9+s1+$0x0], $0xffff  }
0x38: {  	v9 =	vor.u32 s26, v1;
	_ =	sdelay $0x3  }
0x39: {  	[tilespmem:$0x1980] =	vst v8  }
0x3a: {  	v8 =	vld.idx.msk [tilespmem:v9+s1+$0x0], $0xffff  }
0x3b: {  	v9 =	vor.u32 s26, v2;
	_ =	sdelay $0x3  }
0x3c: {  	[tilespmem:$0x1990] =	vst v8  }
0x3d: {  	v8 =	vld.idx.msk [tilespmem:v9+s1+$0x0], $0xffff  }
0x3e: {  	v9 =	vor.u32 s26, v3;
	_ =	sdelay $0x3  }
0x3f: {  	[tilespmem:$0x19A0] =	vst v8  }
0x40: {  	v8 =	vld.idx.msk [tilespmem:v9+s1+$0x0], $0xffff  }
0x41: {  	v9 =	vor.u32 s26, v4;
	_ =	sdelay $0x3  }
0x42: {  	[tilespmem:$0x19B0] =	vst v8  }
0x43: {  	v8 =	vld.idx.msk [tilespmem:v9+s1+$0x0], $0xffff  }
0x44: {  	v9 =	vor.u32 s26, v5;
	_ =	sdelay $0x3  }
0x45: {  	[tilespmem:$0x19C0] =	vst v8  }
0x46: {  	v8 =	vld.idx.msk [tilespmem:v9+s1+$0x0], $0xffff  }
0x47: {  	v9 =	vor.u32 s26, v6;
	_ =	sdelay $0x3  }
0x48: {  	[tilespmem:$0x19D0] =	vst v8  }
0x49: {  	v8 =	vld.idx.msk [tilespmem:v9+s1+$0x0], $0xffff  }
0x4a: {  	v9 =	vor.u32 s26, v7;
	_ =	sdelay $0x3  }
0x4b: {  	[tilespmem:$0x19E0] =	vst v8  }
0x4c: {  	v8 =	vld.idx.msk [tilespmem:v9+s1+$0x0], $0xffff;
	_ =	sdelay $0x4  }
0x4d: {  	[tilespmem:$0x19F0] =	vst v8  }
0x4e: {  	[tilespmem:s15], [sflag:$0x2] =	stream.indirect.gather [hbm4b:s4+s9], $0x20, s14, s9, $0xb8;
	[tilespmem:$0x3A00] =	vst v63  }
0x4f: {  	s28 =	simm.s32 $0x2;
	s29 =	simm.s32 $0x4;
	_ =	swait.ge [sflag:s16], $0x1000  }
0x50: {  	s31 =	sadd.s32 $0x2, s23;
	s30 =	smov.u32 s21;
	[sflag:s16] =	ssyncset.done $0x0  }
0x51: {  	p1 =	slt.s32 s31, $0x2;
	s0 =	simm.s32 $0x100;
	[sflag:s16] =	ssyncadd.s32 $0xFFFFF000  }
0x52: {  	[hbm4b:s22+s1] =	stream.linear.scatter [tilespmem:s13], [sflag:$0x3], $0x1000, $0x38;
	[tilespmem:$0x3A00] =	vst v63  }
0x53: {  	s25 =	sadd.s32 $0x20000, s21;
	s26 =	sadd.s32 $0x20000, s22;
	v8 =	vor.u32 s0, v0;
	_ =	swait.ge [sflag:s17], $0x1000  }
.LBB2_3:
0x54: {  	s6 =	simm.s32 @!p1 $0x3  }
0x55: {  	[sflag:s17] =	ssyncset.done $0x0;
	s2 =	smov.u32 s29;
	s29 =	sadd.s32 $0x2, s29  }
0x56: {  	p0 =	sne.s32 s29, $0x32;
	[sflag:s17] =	ssyncadd.s32 $0xFFFFF000  }
0x57: {  	[hbm4b:s30+s1] =	stream.linear.scatter [tilespmem:s15], [sflag:$0x4], $0x1000, $0x38;
	[tilespmem:$0x3A00] =	vst v63  }
0x58: {  	s30 =	smov.u32 s25;
	_ =	swait.ge @!p1 [sflag:s6], $0x1000  }
0x59: {  	[sflag:s6] =	ssyncset.done @!p1 $0x0  }
0x5a: {  	[sflag:s6] =	ssyncadd.s32 @!p1 $0xFFFFF000  }
0x5b: {  	v8 =	vld.idx.msk [tilespmem:v8+s1+$0x0], $0xffff  }
0x5c: {  	v9 =	vor.u32 s0, v1;
	_ =	sdelay $0x4  }
0x5d: {  	[tilespmem:$0x1900] =	vst v8  }
0x5e: {  	v8 =	vld.idx.msk [tilespmem:v9+s1+$0x0], $0xffff  }
0x5f: {  	v9 =	vor.u32 s0, v2;
	_ =	sdelay $0x4  }
0x60: {  	[tilespmem:$0x1910] =	vst v8  }
0x61: {  	v8 =	vld.idx.msk [tilespmem:v9+s1+$0x0], $0xffff  }
0x62: {  	v9 =	vor.u32 s0, v3;
	_ =	sdelay $0x4  }
0x63: {  	[tilespmem:$0x1920] =	vst v8  }
0x64: {  	v8 =	vld.idx.msk [tilespmem:v9+s1+$0x0], $0xffff  }
0x65: {  	v9 =	vor.u32 s0, v4;
	_ =	sdelay $0x4  }
0x66: {  	[tilespmem:$0x1930] =	vst v8  }
0x67: {  	v8 =	vld.idx.msk [tilespmem:v9+s1+$0x0], $0xffff  }
0x68: {  	v9 =	vor.u32 s0, v5;
	_ =	sdelay $0x4  }
0x69: {  	[tilespmem:$0x1940] =	vst v8  }
0x6a: {  	v8 =	vld.idx.msk [tilespmem:v9+s1+$0x0], $0xffff  }
0x6b: {  	v9 =	vor.u32 s0, v6;
	_ =	sdelay $0x4  }
0x6c: {  	[tilespmem:$0x1950] =	vst v8  }
0x6d: {  	v8 =	vld.idx.msk [tilespmem:v9+s1+$0x0], $0xffff  }
0x6e: {  	v9 =	vor.u32 s0, v7;
	_ =	sdelay $0x4  }
0x6f: {  	[tilespmem:$0x1960] =	vst v8  }
0x70: {  	v8 =	vld.idx.msk [tilespmem:v9+s1+$0x0], $0xffff;
	_ =	sdelay $0x2  }
0x71: {  	s0 =	sadd.s32 $0x1, s28;
	s28 =	smov.u32 s2  }
0x72: {  	s0 =	sshll.u32 s0, $0x7  }
0x73: {  	p1 =	slt.s32 s31, $0x1;
	v9 =	vor.u32 s0, v0  }
0x74: {  	s2 =	simm.s32 @!p1 $0x4;
	[tilespmem:$0x1970] =	vst v8  }
0x75: {  	[tilespmem:s13], [sflag:$0x1] =	stream.indirect.gather [hbm4b:s4+s9], $0x20, s12, s9, $0xb8;
	[tilespmem:$0x3A00] =	vst v63  }
0x76: {  	_ =	swait.ge @!p1 [sflag:s2], $0x1000  }
0x77: {  	[sflag:s2] =	ssyncset.done @!p1 $0x0  }
0x78: {  	[sflag:s2] =	ssyncadd.s32 @!p1 $0xFFFFF000  }
0x79: {  	v8 =	vld.idx.msk [tilespmem:v9+s1+$0x0], $0xffff  }
0x7a: {  	v9 =	vor.u32 s0, v1;
	_ =	sdelay $0x4  }
0x7b: {  	[tilespmem:$0x1980] =	vst v8  }
0x7c: {  	v8 =	vld.idx.msk [tilespmem:v9+s1+$0x0], $0xffff  }
0x7d: {  	v9 =	vor.u32 s0, v2;
	_ =	sdelay $0x4  }
0x7e: {  	[tilespmem:$0x1990] =	vst v8  }
0x7f: {  	v8 =	vld.idx.msk [tilespmem:v9+s1+$0x0], $0xffff  }
0x80: {  	v9 =	vor.u32 s0, v3;
	_ =	sdelay $0x4  }
0x81: {  	[tilespmem:$0x19A0] =	vst v8  }
0x82: {  	v8 =	vld.idx.msk [tilespmem:v9+s1+$0x0], $0xffff  }
0x83: {  	v9 =	vor.u32 s0, v4;
	_ =	sdelay $0x4  }
0x84: {  	[tilespmem:$0x19B0] =	vst v8  }
0x85: {  	v8 =	vld.idx.msk [tilespmem:v9+s1+$0x0], $0xffff  }
0x86: {  	v9 =	vor.u32 s0, v5;
	_ =	sdelay $0x4  }
0x87: {  	[tilespmem:$0x19C0] =	vst v8  }
0x88: {  	v8 =	vld.idx.msk [tilespmem:v9+s1+$0x0], $0xffff  }
0x89: {  	v9 =	vor.u32 s0, v6;
	_ =	sdelay $0x4  }
0x8a: {  	[tilespmem:$0x19D0] =	vst v8  }
0x8b: {  	v8 =	vld.idx.msk [tilespmem:v9+s1+$0x0], $0xffff  }
0x8c: {  	v9 =	vor.u32 s0, v7;
	_ =	sdelay $0x4  }
0x8d: {  	[tilespmem:$0x19E0] =	vst v8  }
0x8e: {  	v8 =	vld.idx.msk [tilespmem:v9+s1+$0x0], $0xffff;
	_ =	sdelay $0x5  }
0x8f: {  	[tilespmem:$0x19F0] =	vst v8  }
0x90: {  	[tilespmem:s15], [sflag:$0x2] =	stream.indirect.gather [hbm4b:s4+s9], $0x20, s14, s9, $0xb8;
	[tilespmem:$0x3A00] =	vst v63  }
.Ltmp0:
0x91: {  	_ =	swait.ge [sflag:s16], $0x1000;
	(pc) =	sbr.rel @p0 .LBB2_3-.Ltmp0, $4  }
0x92: {  	s25 =	sadd.s32 $0x20000, s25;
	[sflag:s16] =	ssyncset.done $0x0  }
0x93: {  	s31 =	sadd.s32 s28, s23;
	s0 =	sshll.u32 s28, $0x7;
	[sflag:s16] =	ssyncadd.s32 $0xFFFFF000  }
0x94: {  	[hbm4b:s26+s1] =	stream.linear.scatter [tilespmem:s13], [sflag:$0x3], $0x1000, $0x38;
	[tilespmem:$0x3A00] =	vst v63  }
0x95: {  	p1 =	slt.s32 s31, $0x2;
	v8 =	vor.u32 s0, v0;
	s26 =	sadd.s32 $0x20000, s26;
	_ =	swait.ge [sflag:s17], $0x1000  }
0x96: {  	[sflag:s17] =	ssyncset.done $0x0  }
0x97: {  	s2 =	simm.s32 @!p1 $0x3;
	[sflag:s17] =	ssyncadd.s32 $0xFFFFF000  }
0x98: {  	[hbm4b:s30+s1] =	stream.linear.scatter [tilespmem:s15], [sflag:$0x4], $0x1000, $0x38;
	[tilespmem:$0x3A00] =	vst v63  }
0x99: {  	_ =	swait.ge @!p1 [sflag:s2], $0x1000  }
0x9a: {  	[sflag:s2] =	ssyncset.done @!p1 $0x0  }
0x9b: {  	[sflag:s2] =	ssyncadd.s32 @!p1 $0xFFFFF000  }
0x9c: {  	v8 =	vld.idx.msk [tilespmem:v8+s1+$0x0], $0xffff  }
0x9d: {  	v9 =	vor.u32 s0, v1;
	_ =	sdelay $0x3  }
0x9e: {  	[tilespmem:$0x1900] =	vst v8  }
0x9f: {  	v8 =	vld.idx.msk [tilespmem:v9+s1+$0x0], $0xffff  }
0xa0: {  	v50 =	vor.u32 s0, v2;
	_ =	sdelay $0x3  }
0xa1: {  	[tilespmem:$0x1910] =	vst v8  }
0xa2: {  	v8 =	vld.idx.msk [tilespmem:v50+s1+$0x0], $0xffff  }
0xa3: {  	v51 =	vor.u32 s0, v3;
	_ =	sdelay $0x3  }
0xa4: {  	[tilespmem:$0x1920] =	vst v8  }
0xa5: {  	v8 =	vld.idx.msk [tilespmem:v51+s1+$0x0], $0xffff  }
0xa6: {  	v52 =	vor.u32 s0, v4;
	_ =	sdelay $0x3  }
0xa7: {  	[tilespmem:$0x1930] =	vst v8  }
0xa8: {  	v8 =	vld.idx.msk [tilespmem:v52+s1+$0x0], $0xffff  }
0xa9: {  	v53 =	vor.u32 s0, v5;
	_ =	sdelay $0x3  }
0xaa: {  	[tilespmem:$0x1940] =	vst v8  }
0xab: {  	v8 =	vld.idx.msk [tilespmem:v53+s1+$0x0], $0xffff  }
0xac: {  	v54 =	vor.u32 s0, v6;
	_ =	sdelay $0x3  }
0xad: {  	[tilespmem:$0x1950] =	vst v8  }
0xae: {  	v8 =	vld.idx.msk [tilespmem:v54+s1+$0x0], $0xffff  }
0xaf: {  	v55 =	vor.u32 s0, v7;
	_ =	sdelay $0x3  }
0xb0: {  	[tilespmem:$0x1960] =	vst v8  }
0xb1: {  	v8 =	vld.idx.msk [tilespmem:v55+s1+$0x0], $0xffff;
	_ =	sdelay $0x2  }
0xb2: {  	s30 =	sadd.s32 $0x1, s28  }
0xb3: {  	p0 =	slt.s32 s31, $0x1;
	s0 =	sshll.u32 s30, $0x7  }
0xb4: {  	v56 =	vor.u32 s0, v0;
	s2 =	simm.s32 @!p0 $0x4;
	[tilespmem:$0x1970] =	vst v8  }
0xb5: {  	[tilespmem:s13], [sflag:$0x1] =	stream.indirect.gather [hbm4b:s4+s9], $0x20, s12, s9, $0xb8;
	[tilespmem:$0x3A00] =	vst v63  }
0xb6: {  	_ =	swait.ge @!p0 [sflag:s2], $0x1000  }
0xb7: {  	[sflag:s2] =	ssyncset.done @!p0 $0x0  }
0xb8: {  	[sflag:s2] =	ssyncadd.s32 @!p0 $0xFFFFF000  }
0xb9: {  	v8 =	vld.idx.msk [tilespmem:v56+s1+$0x0], $0xffff  }
0xba: {  	v57 =	vor.u32 s0, v1;
	_ =	sdelay $0x3  }
0xbb: {  	[tilespmem:$0x1980] =	vst v8  }
0xbc: {  	v8 =	vld.idx.msk [tilespmem:v57+s1+$0x0], $0xffff  }
0xbd: {  	v58 =	vor.u32 s0, v2;
	_ =	sdelay $0x3  }
0xbe: {  	[tilespmem:$0x1990] =	vst v8  }
0xbf: {  	v8 =	vld.idx.msk [tilespmem:v58+s1+$0x0], $0xffff  }
0xc0: {  	v59 =	vor.u32 s0, v3;
	_ =	sdelay $0x3  }
0xc1: {  	[tilespmem:$0x19A0] =	vst v8  }
0xc2: {  	v8 =	vld.idx.msk [tilespmem:v59+s1+$0x0], $0xffff  }
0xc3: {  	v60 =	vor.u32 s0, v4;
	_ =	sdelay $0x3  }
0xc4: {  	[tilespmem:$0x19B0] =	vst v8  }
0xc5: {  	v8 =	vld.idx.msk [tilespmem:v60+s1+$0x0], $0xffff  }
0xc6: {  	v61 =	vor.u32 s0, v5;
	_ =	sdelay $0x3  }
0xc7: {  	[tilespmem:$0x19C0] =	vst v8  }
0xc8: {  	v8 =	vld.idx.msk [tilespmem:v61+s1+$0x0], $0xffff  }
0xc9: {  	v62 =	vor.u32 s0, v6;
	_ =	sdelay $0x3  }
0xca: {  	[tilespmem:$0x19D0] =	vst v8  }
0xcb: {  	v8 =	vld.idx.msk [tilespmem:v62+s1+$0x0], $0xffff  }
0xcc: {  	v63 =	vor.u32 s0, v7;
	_ =	sdelay $0x3  }
0xcd: {  	[tilespmem:$0x19E0] =	vst v8  }
0xce: {  	v8 =	vld.idx.msk [tilespmem:v63+s1+$0x0], $0xffff;
	_ =	sdelay $0x4  }
0xcf: {  	[tilespmem:$0x19F0] =	vst v8  }
0xd0: {  	[tilespmem:s15], [sflag:$0x2] =	stream.indirect.gather [hbm4b:s4+s9], $0x20, s14, s9, $0xb8;
	[tilespmem:$0x3A00] =	vst v63  }
0xd1: {  	_ =	swait.ge [sflag:s16], $0x1000  }
0xd2: {  	s24 =	sadd.s32 $0x1, s24;
	[sflag:s16] =	ssyncset.done $0x0  }
0xd3: {  	p0 =	sne.s32 s24, $0x4;
	[sflag:s16] =	ssyncadd.s32 $0xFFFFF000  }
0xd4: {  	[hbm4b:s26+s1] =	stream.linear.scatter [tilespmem:s13], [sflag:$0x3], $0x1000, $0x38;
	[tilespmem:$0x3A00] =	vst v63  }
.Ltmp1:
0xd5: {  	_ = 	snop;
	(pc) =	sbr.rel @p0 .LBB2_2-.Ltmp1, $4  }
0xd6: {  	_ =	swait.ge [sflag:s17], $0x1000  }
0xd7: {  	s23 =	sadd.s32 $0x32, s23;
	[sflag:s17] =	ssyncset.done $0x0  }
0xd8: {  	s22 =	sadd.s32 $0x200, s22;
	s21 =	sadd.s32 $0x200, s21;
	[sflag:s17] =	ssyncadd.s32 $0xFFFFF000  }
0xd9: {  	[hbm4b:s25+s1] =	stream.linear.scatter [tilespmem:s15], [sflag:$0x4], $0x1000, $0x38;
	[tilespmem:$0x3A00] =	vst v63  }
0xda: {  	_ =	swait.ge [sflag:s18], $0x1000  }
0xdb: {  	[sflag:s18] =	ssyncset.done $0x0  }
0xdc: {  	[sflag:s18] =	ssyncadd.s32 $0xFFFFF000  }
0xdd: {  	_ =	swait.ge [sflag:s19], $0x1000  }
0xde: {  	s20 =	sadd.s32 $0x1, s20;
	s0 =	rddreg [dreg:$0x3]  }
0xdf: {  	p0 =	sne.s32 s20, s0  }
.Ltmp2:
0xe0: {  	_ = 	snop;
	(pc) =	sbr.rel @p0 .LBB2_1-.Ltmp2, $3  }
0xe1: {  	_ =	sdelay $0x1  }
0xe2: {  	[sflag:s19] =	ssyncset.done $0x0  }
0xe3: {  	[sflag:s19] =	ssyncadd.s32 $0xFFFFF000  }
0xe4: {  	_ =	sfence.sel $0x180000  }
0xe5: {  	[bflag:$0x0] =	sbarrier.arrive $0xFFFF  }
0xe6: {  	_ =	strace $0x90000047  }
0xe7: {  	s0 =	stileid.u32;
	[bflag:$0x2] =	sbarrier.arrive $0xFFFF  }
0xe8: {  	p0 =	sne.s32 s0, $0x0;
	s0 =	rddreg [dreg:$0x2]  }
0xe9: {  	s0 =	sadd.s32 @!p0 $0x100000, s0  }
0xea: {  	[sflag:s0] =	ssyncadd.tile.s32 @!p0 $0x1;
	_ =	shalt  }
.Lfunc_end2:
_tile_overlayer_lowered:
.L_overlay_start_2:
0xeb: {  	(tag) =	ssettag $0x2  }
0xec: {  	s0 =	rddreg [dreg:$0x0];
	s2 =	stileid.u32  }
0xed: {  	s1 =	rddreg [dreg:$0x1];
	p0 =	sne.s32 s2, $0x0  }
0xee: {  	s3 =	rddreg [dreg:$0x2];
	[bflag:$0x3] =	sbarrier.arrive $0xFFFF;
	s2 =	simm.s32 @!p0 $0x1C05  }
0xef: {  	[timem:s3], [sflag:s2] =	dma.local @!p0 [hbm:s0], s1  }
0xf0: {  	s0 =	simm.s32 @!p0 $0x5  }
0xf1: {  	_ =	swait.ge @!p0 [sflag:s0], s1  }
0xf2: {  	s1 =	ssub.s32 @!p0 $0x0, s1;
	[sflag:s0] =	ssyncset.done @!p0 $0x0  }
0xf3: {  	[sflag:s0] =	ssyncadd.s32 @!p0 s1  }
0xf4: {  	[bflag:$0x3] =	sbarrier.arrive $0xFFFF  }
0xf5: {  	_ =	shalt  }

// kernel: sparse-core-data-format-call.cloned.1.call-start
scs
called_computation_lowered:
.L_overlay_start_0:
0x0: {  	s2 =	sld [smem:$0x3FD9]  }
0x1: {  	s3 =	sld [smem:$0x3FFE];
	_ =	sdelay $0x1  }
0x2: {  	s1 =	srdreg.scid  }
0x3: {  	s0 =	sand.u32 $0x1, s1  }
0x4: {  	s18 =	sshll.u32 s0, $0xA;
	s2 =	sadd.s32 s3, s2  }
0x5: {  	s2 =	sadd.s32 s2, s18  }
0x6: {  	[smem:$0x3FC6] =	sst s2  }
0x7: {  	_ = 	snop  }
0x8: {  	s2 =	sld [smem:$0x3FD0];
	(tm) =	ssettm $0x1  }
0x9: {  	s19 =	sld [smem:$0x3FFB];
	_ =	sdelay $0x3  }
0xa: {  	_ =	strace s19  }
0xb: {  	s3 =	sld [smem:$0x3FFC];
	_ =	sdelay $0x3  }
0xc: {  	_ =	strace s3  }
0xd: {  	s3 =	sld [smem:$0x3FFD];
	_ =	sdelay $0x3  }
0xe: {  	_ =	strace s3  }
0xf: {  	_ =	strace $0x8FFFFFFF  }
0x10: {  	s20 =	sld [smem:$0x3FDB];
	_ =	sdelay $0x1  }
0x11: {  	s4 =	simm.s32 $_scs_section_size  }
0x12: {  	s5 =	simm.s32 $_size__tile_overlayer_lowered;
	s6 =	simm.s32 $_tile_overlayer_lowered  }
0x13: {  	s23 =	simm.s32 $0x1BFF;
	s22 =	sshll.u32 s6, $0x1;
	s3 =	sadd.s32 s4, s20  }
0x14: {  	s7 =	simm.s32 $0x0;
	s21 =	sshll.u32 s5, $0x1;
	s5 =	sadd.s32 s22, s3  }
0x15: {  	[timem:s7], [sflag:s23] =	dma.local [hbm:s5], s21  }
0x16: {  	_ =	swait.ge [sflag:s23], s21  }
0x17: {  	s4 =	ssub.s32 $0x0, s21;
	[sflag:s23] =	ssyncset.done $0x0  }
0x18: {  	[sflag:s23] =	ssyncadd.s32 s4;
	_ =	sdelay $0x1  }
0x19: {  	s24 =	simm.s32 $0x1B8B  }
0x1a: {  	_ =	swait.ge [sflag:s24], $0x1  }
0x1b: {  	[sflag:s24] =	ssyncset.done $0x0  }
0x1c: {  	s26 =	simm.s32 $0x1B8E;
	s25 =	sld [smem:$0x3FFE];
	[sflag:s24] =	ssyncadd.s32 $0xFFFFFFFF  }
0x1d: {  	s27 =	simm.s32 $execute0_lowered;
	[smem:$0x3FD2] =	sst s26  }
0x1e: {  	s5 =	sshll.u32 s27, $0x1;
	_ =	strace $0x80000049;
	[dreg:$0x1] =	wrdreg $0xFFFFFFFF  }
0x1f: {  	s28 =	simm.s32 $_size_execute0_lowered;
	s3 =	sadd.s32 s3, s5;
	[dreg:$0x0] =	wrdreg $0x0  }
0x20: {  	s5 =	sshll.u32 s28, $0x1;
	[dreg:$0x2] =	wrdreg s3  }
0x21: {  	[dreg:$0x3] =	wrdreg s5  }
0x22: {  	[dreg:$0x4] =	wrdreg $0xC0  }
0x23: {  	_ =	task [dreg:s7], $0x5FFFF  }
0x24: {  	[dreg:$0x1] =	wrdreg $0xFFFFFFFF  }
0x25: {  	[dreg:$0x0] =	wrdreg $0x60  }
0x26: {  	[dreg:$0x2] =	wrdreg s25  }
0x27: {  	[dreg:$0x3] =	wrdreg s2  }
0x28: {  	[dreg:$0x4] =	wrdreg $0x9  }
0x29: {  	_ =	task.clear_ibuf [dreg:s7], $0x5FFFF;
	_ =	strace $0x90000049  }
0x2a: {  	s29 =	simm.s32 $0x9;
	_ =	strace $0x8000004B  }
0x2b: {  	_ =	swait.ge [sflag:s29], $0x1  }
0x2c: {  	[sflag:s29] =	ssyncadd.s32 $0xFFFFFFFF  }
0x2d: {  	_ =	strace $0x9000004B  }
0x2e: {  	_ =	sfence  }
0x2f: {  	s30 =	sld [smem:$0x0];
	_ =	sdelay $0x2  }
0x30: {  	s31 =	sshll.u32 s1, $0xD;
	s1 =	sshrl.u32 s1, $0x2  }
0x31: {  	s3 =	sand.u32 $0x4000, s31;
	s1 =	sadd.s32 s1, s30  }
0x32: {  	s0 =	sor.u32 s3, s0;
	s1 =	sshll.u32 s1, $0x11  }
0x33: {  	s0 =	sor.u32 s1, s0  }
0x34: {  	s0 =	sadd.s32 $0x8F2B, s0  }
0x35: {  	[sflag:s0] =	ssyncadd.remote.s32 $0x1  }
0x36: {  	_ =	sfence.sel $0xFFFF  }
0x37: {  	[dreg:$0x0] =	wrdreg $0xFFFFFFFF;
	(pc) =	sbr.abs _section_cstart, $3  }
0x38: {  	[dreg:$0x1] =	wrdreg $0xFFFFFFFF  }
0x39: {  	_ =	task.clear_ibuf [dreg:s7], $0x2FFFF;
	_ =	strace $0x9FFFFFFF  }
0x3a: {  	(tm) =	ssettm $0x7FFFFFFF  }
0x3b: {  	_ =	shalt  }
tec
execute0_lowered:
.L_overlay_start_1:
0x0: {  	(tag) =	ssettag $0x1  }
0x1: {  	s0 =	srdreg.scid  }
0x2: {  	s1 =	sshll.u32 s0, $0x4  }
0x3: {  	s0 =	stileid.u32;
	s1 =	sand.u32 $0x10, s1  }
0x4: {  	s7 =	rddreg [dreg:$0x0];
	s1 =	sor.u32 s0, s1  }
0x5: {  	s4 =	simm.s32 $0x1;
	s8 =	simm.s32 $0x2;
	s2 =	sshll.u32 s1, $0x7  }
0x6: {  	s13 =	simm.s32 $0x0;
	s9 =	simm.s32 $0x20000;
	s1 =	ssub.s32 $0x4000, s2  }
0x7: {  	s14 =	simm.s32 $0x0;
	s11 =	simm.s32 $0x0;
	s3 =	sand.u32 $0xF80, s1  }
0x8: {  	s12 =	simm.s32 $0x0;
	s5 =	sshrl.u32 s1, $0xC;
	p0 =	sne.s32 s3, $0x0  }
.Ltmp0:
0x9: {  	s1 =	rddreg [dreg:$0x2];
	s4 =	simm.s32 @!p0 $0x0;
	(pc) =	sbr.rel .LBB1_1-.Ltmp0, $4  }
0xa: {  	s6 =	sadd.s32 $0xA00, s7;
	s3 =	rddreg [dreg:$0x1];
	s5 =	sadd.s32 s4, s5  }
0xb: {  	_ =	strace $0x8000004A;
	s4 =	simm.s32 $0x1;
	s5 =	smul.u32 $0x19, s5  }
0xc: {  	s7 =	sadd.s32 $0x40A00, s7;
	s10 =	smov.u32 s2;
	[sflag:s4] =	ssyncpa.u1 $0x0  }
0xd: {  	p0 =	por $0x0, $0x0;
	[sflag:s8] =	ssyncpa.u1 $0x0;
	s8 =	sadd.s32 $0x1, s5  }
.LBB1_7:
0xe: {  	s15 =	sadd.s32 $0x1000, s10  }
0xf: {  	s13 =	sadd.s32 $0x2, s11;
	s17 =	smov.u32 s11;
	p2 =	sgt.s32 s15, $0x3FFF  }
0x10: {  	s17 =	smov.u32 @p2 s13  }
0x11: {  	s15 =	smov.u32 @p2 s2;
	p2 =	sgt.s32 s17, $0x31  }
0x12: {  	s17 =	simm.s32 @p2 $0x0;
	p2 =	sne.s32 s12, s8  }
.Ltmp1:
0x13: {  	p1 =	slt.u32 s12, $0x2;
	(pc) =	sbr.rel @!p2 .LBB1_8-.Ltmp1, $4  }
0x14: {  	s16 =	simm.s32 @!p1 $0x2  }
0x15: {  	s14 =	smov.u32 s11;
	p0 =	por !p0, !p0;
	_ =	swait.ge @!p1 [sflag:s16], $0x2000  }
0x16: {  	s13 =	smov.u32 s10;
	[sflag:s16] =	ssyncset.done @!p1 $0x0;
	s10 =	smov.u32 s15  }
0x17: {  	s12 =	sadd.s32 $0x1, s12;
	[sflag:s16] =	ssyncadd.s32 @!p1 $0xFFFFE000;
	s11 =	smov.u32 s17  }
.LBB1_1:
0x18: {  	p1 =	sge.u32 s12, s5  }
0x19: {  	s15 =	sxor.u32 @!p1 $0xFFFFFFFF, s12;
	s16 =	sshll.u32 @!p1 s11, $0x12  }
0x1a: {  	s17 =	sshll.u32 @!p1 s10, $0x4;
	s19 =	simm.s32 @!p1 $0x20;
	s20 =	simm.s32 @!p1 $0x80  }
0x1b: {  	s15 =	sshll.u32 @!p1 s15, $0xD;
	s17 =	sand.u32 @!p1 $0x3FFF0, s17;
	s18 =	sadd.s32 @!p1 s6, s16  }
0x1c: {  	s16 =	sadd.s32 @!p1 s16, s7;
	s15 =	sand.u32 @!p1 $0x2000, s15;
	s18 =	sadd.s32 @!p1 s17, s18  }
0x1d: {  	[tilespmem:s15], [sflag:$0x1] =	stream.strided.gather @!p1 [hbm4b:s18+s19], $0x1000, s20, s19, $0x38;
	[tilespmem:$0x8080] =	vst v63  }
0x1e: {  	s31 =	sadd.s32 $0xFFFFFFFF, s12;
	s16 =	sadd.s32 @!p1 s17, s16;
	s15 =	sor.u32 @!p1 $0x1000, s15  }
0x1f: {  	[tilespmem:s15], [sflag:$0x1] =	stream.strided.gather @!p1 [hbm4b:s16+s19], $0x1000, s20, s19, $0x38;
	[tilespmem:$0x8080] =	vst v63  }
0x20: {  	p1 =	sge.u32 s31, s5  }
.Ltmp2:
0x21: {  	_ = 	snop;
	(pc) =	sbr.rel @p1 .LBB1_7-.Ltmp2, $1  }
0x22: {  	_ =	sdelay $0x3  }
0x23: {  	s15 =	simm.s32 $0x1;
	s17 =	sand.u32 $0x1, s12  }
0x24: {  	_ =	swait.ge [sflag:s4], $0x2000;
	s15 =	simm.s32 @!p0 $0x0;
	s17 =	smul.u32 $0x8100, s17  }
0x25: {  	p2 =	por $0x1, $0x1;
	[sflag:s4] =	ssyncset.done $0x0;
	s16 =	smul.u32 $0x8100, s15  }
0x26: {  	s18 =	sshll.u32 s15, $0xF;
	[sflag:s4] =	ssyncadd.s32 $0xFFFFE000;
	s30 =	sshrl.u32 s17, $0x2  }
0x27: {  	s31 =	sshrl.u32 s18, $0x2;
	s18 =	simm.s32 $0x0;
	s16 =	sshrl.u32 s16, $0x2  }
0x28: {  	s15 =	sor.u32 $0x4000, s30;
	s17 =	sadd.s32 $0x10, s31;
	s16 =	sor.u32 $0x4000, s16  }
.LBB1_3:
0x29: {  	s19 =	sshll.u32 s18, $0xC  }
0x2a: {  	s19 =	sand.u32 $0x3FFFF000, s19  }
0x2b: {  	s20 =	sadd.s32 s19, s17  }
0x2c: {  	s31 =	smul.u32 $0x4080, s18;
	v1 =	vld [tilespmem:s20+$0x0]  }
0x2d: {  	v0 =	vld [tilespmem:s20+$0xFFFFFFF0]  }
0x2e: {  	s18 =	sshra.s32 s31, $0x2  }
0x2f: {  	s18 =	sadd.s32 s18, s16  }
0x30: {  	s21 =	sadd.s32 $0x0, s18  }
0x31: {  	p1 =	por p2, p2;
	s19 =	simm.s32 $0x4;
	s20 =	sadd.s32 $0x20, s20;
	[tilespmem:s21+$0x810 ss:$0x81] =	vst.msk $0xffff, v1  }
.LBB1_4:
0x32: {  	v1 =	vld [tilespmem:s20+$0x0];
	p2 =	sne.s32 s19, $0x1FC;
	[tilespmem:s21+$0x0 ss:$0x81] =	vst.msk $0xffff, v0;
	s21 =	smov.u32 s19;
	s19 =	sadd.s32 $0x4, s19  }
.Ltmp3:
0x33: {  	v0 =	vld [tilespmem:s20+$0xFFFFFFF0];
	(pc) =	sbr.rel @p2 .LBB1_4-.Ltmp3, $4  }
0x34: {  	_ = 	snop  }
0x35: {  	s21 =	sshra.s32 s21, $0x2  }
0x36: {  	s21 =	sadd.s32 s21, s18  }
0x37: {  	s20 =	sadd.s32 $0x20, s20;
	[tilespmem:s21+$0x810 ss:$0x81] =	vst.msk $0xffff, v1  }
.Ltmp4:
0x38: {  	(pc) =	sbr.rel @p1 .LBB1_3-.Ltmp4, $2  }
0x39: {  	_ =	sdelay $0x2  }
0x3a: {  	[tilespmem:s21+$0x0 ss:$0x81] =	vst.msk $0xffff, v0;
	s18 =	simm.s32 $0x1;
	p2 =	por $0x0, $0x0  }
0x3b: {  	s16 =	sshll.u32 s13, $0x3;
	s17 =	sand.u32 $0x78, s13;
	s14 =	sshll.u32 s14, $0x10  }
.Ltmp5:
0x3c: {  	s30 =	sand.u32 $0xF800, s13;
	s16 =	sand.u32 $0x3C00, s16;
	(pc) =	sbr.rel .LBB1_7-.Ltmp5, $4  }
0x3d: {  	s31 =	sand.u32 $0x7, s13;
	s14 =	sadd.s32 s3, s14;
	s16 =	sor.u32 s17, s16  }
0x3e: {  	s13 =	sshll.u32 s31, $0x12;
	s14 =	sadd.s32 s30, s14;
	s16 =	sshrl.u32 s16, $0x3  }
0x3f: {  	s13 =	sor.u32 $0x400, s13;
	s14 =	sadd.s32 s16, s14  }
0x40: {  	[hbm4b:s14+s13] =	stream.strided.scatter [tilespmem:s15], [sflag:$0x2], $0x2000, s9, s13, $0x20;
	[tilespmem:$0x8080] =	vst v63  }
.LBB1_8:
0x41: {  	_ =	sfence.sel $0x180000  }
0x42: {  	s2 =	simm.s32 $0x1;
	[bflag:$0x0] =	sbarrier.arrive $0xFFFF  }
0x43: {  	s31 =	simm.s32 $0x2;
	[sflag:s2] =	ssyncpa.u1 $0x1  }
0x44: {  	[sflag:s31] =	ssyncpa.u1 $0x1  }
0x45: {  	p0 =	sne.s32 s0, $0x0;
	_ =	strace $0x9000004A  }
0x46: {  	s0 =	sadd.s32 @!p0 $0x100000, s1;
	[bflag:$0x2] =	sbarrier.arrive $0xFFFF  }
0x47: {  	[sflag:s0] =	ssyncadd.tile.s32 @!p0 $0x1;
	_ =	shalt  }
.Lfunc_end1:
_tile_overlayer_lowered:
.L_overlay_start_2:
0x48: {  	(tag) =	ssettag $0x2  }
0x49: {  	s0 =	rddreg [dreg:$0x0];
	s2 =	stileid.u32  }
0x4a: {  	s1 =	rddreg [dreg:$0x1];
	p0 =	sne.s32 s2, $0x0  }
0x4b: {  	s3 =	rddreg [dreg:$0x2];
	[bflag:$0x3] =	sbarrier.arrive $0xFFFF;
	s2 =	simm.s32 @!p0 $0x1C01  }
0x4c: {  	[timem:s3], [sflag:s2] =	dma.local @!p0 [hbm:s0], s1  }
0x4d: {  	s0 =	simm.s32 @!p0 $0x1  }
0x4e: {  	_ =	swait.ge @!p0 [sflag:s0], s1  }
0x4f: {  	s1 =	ssub.s32 @!p0 $0x0, s1;
	[sflag:s0] =	ssyncset.done @!p0 $0x0  }
0x50: {  	[sflag:s0] =	ssyncadd.s32 @!p0 s1  }
0x51: {  	[bflag:$0x3] =	sbarrier.arrive $0xFFFF  }
0x52: {  	_ =	shalt  }

</sc_bundles>
